<compile_context>
chip_gen: v7x
topology: tpu7x:2x2x1
jax: 0.10.2.dev20260603
libtpu: 0.0.44.dev20260713+nightly
codegen_flags: <defaults>
</compile_context>

<pallas_src>
import functools

import jax
import jax.numpy as jnp
from jax import lax
from jax.experimental import pallas as pl
from jax.experimental.pallas import tpu as pltpu
from jax.experimental.pallas import tpu_sc as plsc

_VOCAB = 1_000_000
_D = 64
_B = 4096
_SEQ = 134

_NC = 2
_NS = 16
_NW = _NC * _NS
_BPW = _B // _NW
_SEQP = 144
_GROUPS = _BPW // 16

_BLKR = 16_384
_ROWS_OUT = _BLKR // 128
_NSTEP = (_VOCAB + _BLKR - 1) // _BLKR
_PV = _NSTEP * _BLKR


def _proj_body(tab_ref, w1_ref, w2t_ref, b1c_ref, b2_ref, m_ref, s_ref,
               p_ref):
    v_col = lax.dot_general(
        w1_ref[...], w2t_ref[...], (((0,), (0,)), ((), ())),
        preferred_element_type=jnp.float32)
    c = jnp.sum(w2t_ref[...] * b1c_ref[...]) + b2_ref[0, 0]
    r_col = jnp.dot(tab_ref[...], v_col,
                    preferred_element_type=jnp.float32)
    iv = lax.broadcasted_iota(jnp.int32, (_BLKR, 1), 0)
    valid = pl.program_id(0) * _BLKR + iv < _VOCAB
    r_col = jnp.where(valid, r_col, 0.0)
    d = jnp.broadcast_to(r_col, (_BLKR, 128)) * m_ref[...]
    p_ref[...] = jnp.dot(s_ref[...], d,
                         preferred_element_type=jnp.float32) + c


def _project_table(table, W1, b1_2d, W2, b2_2d):
    h = W1.shape[0]
    ii = jnp.arange(_BLKR, dtype=jnp.int32)
    m_mask = (ii[:, None] % 128 == jnp.arange(128, dtype=jnp.int32)[None, :])
    s_mat = (jnp.arange(_ROWS_OUT, dtype=jnp.int32)[:, None] == ii[None, :] // 128)
    p2d = pl.pallas_call(
        _proj_body,
        grid=(_NSTEP,),
        in_specs=[
            pl.BlockSpec((_BLKR, _D), lambda i: (i, 0)),
            pl.BlockSpec((h, _D), lambda i: (0, 0)),
            pl.BlockSpec((h, 1), lambda i: (0, 0)),
            pl.BlockSpec((h, 1), lambda i: (0, 0)),
            pl.BlockSpec((1, 1), lambda i: (0, 0)),
            pl.BlockSpec((_BLKR, 128), lambda i: (0, 0)),
            pl.BlockSpec((_ROWS_OUT, _BLKR), lambda i: (0, 0)),
        ],
        out_specs=pl.BlockSpec((_ROWS_OUT, 128), lambda i: (i, 0)),
        out_shape=jax.ShapeDtypeStruct((_NSTEP * _ROWS_OUT, 128), jnp.float32),
    )(table, W1, W2.T, b1_2d, b2_2d,
      m_mask.astype(jnp.float32), s_mat.astype(jnp.float32))
    return p2d.reshape(_PV)


@functools.cache
def _make_sc_gather_reduce():
    mesh = plsc.VectorSubcoreMesh(core_axis_name="c", subcore_axis_name="s")
    return pl.kernel(
        _sc_gather_reduce_body,
        out_type=jax.ShapeDtypeStruct((_B,), jnp.float32),
        mesh=mesh,
        compiler_params=pltpu.CompilerParams(needs_layout_passes=False),
        scratch_types=[
            pltpu.VMEM((_SEQP * _BPW,), jnp.int32),
            pltpu.VMEM((_SEQP * _BPW,), jnp.int32),
            pltpu.VMEM((_SEQP * _BPW,), jnp.float32),
            pltpu.VMEM((_SEQP,), jnp.float32),
            pltpu.VMEM((16,), jnp.float32),
            pltpu.VMEM((_BPW,), jnp.float32),
            pltpu.VMEM_SHARED((_PV,), jnp.float32),
            pltpu.SemaphoreType.DMA,
        ],
    )


def _sc_gather_reduce_body(idx_hbm, p_hbm, w3_hbm, b3_hbm, out_hbm,
                           idx_v, idxt_v, g_v, w3_v, b3_v, res_v, p_sp, sem):
    sid = lax.axis_index("s")
    wid = sid * _NC + lax.axis_index("c")
    base = pl.multiple_of(wid * _BPW, _BPW)

    @pl.when(sid == 0)
    def _stage_p():
        pltpu.sync_copy(p_hbm, p_sp)

    pltpu.sync_copy(idx_hbm.at[wid], idx_v)
    pltpu.sync_copy(w3_hbm, w3_v)
    pltpu.sync_copy(b3_hbm, b3_v)

    lane = lax.iota(jnp.int32, 16)
    lane144 = lane * _SEQP

    def _trow(t, carry):
        ot = pl.multiple_of(t * _BPW, _BPW)
        for kb in range(_BPW // 16):
            offs = lane144 + (16 * kb * _SEQP) + t
            vals = plsc.load_gather(idx_v, [offs])
            idxt_v[pl.ds(ot + 16 * kb, 16)] = vals
        return carry

    lax.fori_loop(0, _SEQP, _trow, 0)
    plsc.subcore_barrier()

    pltpu.async_copy(p_sp.at[idxt_v], g_v, sem).wait()

    def _tgroup(tg, accs):
        wvec = w3_v[pl.ds(pl.multiple_of(tg * 16, 16), 16)]
        off0 = pl.multiple_of(tg * 16 * _BPW, _BPW)
        for j in range(16):
            w = wvec[j]
            o = off0 + j * _BPW
            accs = tuple(
                a + w * g_v[pl.ds(o + 16 * k, 16)] for k, a in enumerate(accs)
            )
        return accs

    accs = lax.fori_loop(
        0, _SEQP // 16, _tgroup,
        tuple(jnp.zeros((16,), jnp.float32) for _ in range(_GROUPS)),
    )
    for k in range(_GROUPS):
        z = accs[k] + b3_v[...]
        res_v[pl.ds(16 * k, 16)] = 1.0 / (1.0 + jnp.exp(-z))

    pltpu.sync_copy(res_v, out_hbm.at[pl.ds(base, _BPW)])


def kernel(input_ids, table, W1, b1, W2, b2, W3, b3):
    ids = input_ids.astype(jnp.int32)
    idx_all = jnp.pad(ids, ((0, 0), (0, _SEQP - _SEQ)))
    idx_all = idx_all.reshape(_NW, _BPW * _SEQP)
    w3p = jnp.pad(W3.reshape(_SEQ).astype(jnp.float32), (0, _SEQP - _SEQ))
    b3b = jnp.broadcast_to(b3.reshape(()), (16,)).astype(jnp.float32)
    h = W1.shape[0]
    p = _project_table(
        table,
        W1,
        b1.reshape(h, 1).astype(jnp.float32),
        W2,
        b2.reshape(1, 1).astype(jnp.float32),
    )
    out = _make_sc_gather_reduce()(idx_all, p, w3p, b3b)
    return out.reshape(_B, 1)

# --- scband reference (transcript-rebuilt; emitter-appended) ---
"""Pipeline reference for scband-base-network-57251914055924 (READ-ONLY COPY).

The authoritative reference and input builder live on the scoring server;
editing this copy changes nothing except your own understanding.
"""

import jax, jax.numpy as jnp
import numpy as np

VOCAB = 1000000
EMBED_DIM = 64
BATCH = 4096
SEQ = 134


def setup_inputs(seed: int = 0) -> dict:
    key = jax.random.key(seed)
    ks = jax.random.split(key, 8)
    input_ids = jax.random.randint(ks[0], (BATCH, SEQ), 0, VOCAB)
    table = jax.random.normal(ks[1], (VOCAB, EMBED_DIM), dtype=jnp.float32)
    W1 = jax.random.normal(ks[2], (50, EMBED_DIM), dtype=jnp.float32) * 0.05
    b1 = jnp.zeros((50,), dtype=jnp.float32)
    W2 = jax.random.normal(ks[3], (1, 50), dtype=jnp.float32) * 0.05
    b2 = jnp.zeros((1,), dtype=jnp.float32)
    W3 = jax.random.normal(ks[4], (1, SEQ), dtype=jnp.float32) * 0.05
    b3 = jnp.zeros((1,), dtype=jnp.float32)
    return {
        "input_ids": input_ids,
        "table": table,
        "W1": W1,
        "b1": b1,
        "W2": W2,
        "b2": b2,
        "W3": W3,
        "b3": b3,
    }


def reference(input_ids, table, W1, b1, W2, b2, W3, b3):
    # embedding lookup (frozen table)
    embeds = jnp.take(table, input_ids, axis=0)          # [B, 134, D]
    x = embeds @ W1.T + b1                               # [B, 134, 50]
    x = x @ W2.T + b2                                    # [B, 134, 1]
    x = x.reshape(x.shape[0], -1)                        # flatten(-2, -1) -> [B, 134]
    x = x @ W3.T + b3                                    # [B, 1]
    return jax.nn.sigmoid(x)

if __name__ == "__main__":
    import jax
    _d = setup_inputs()
    print(jax.jit(kernel)(*tuple(_d.values())))

</pallas_src>

<mosaic_0001>
#map = affine_map<(d0, d1) -> (0, 0)>
#map1 = affine_map<(d0, d1) -> (0)>
module attributes {stable_mosaic.version = 14 : i64} {
  func.func @_sc_gather_reduce_body(%arg0: i32, %arg1: i32, %arg2: memref<32x18432xi32, #tpu.memory_space<hbm>>, %arg3: memref<1015808xf32, #tpu.memory_space<hbm>>, %arg4: memref<144xf32, #tpu.memory_space<hbm>>, %arg5: memref<16xf32, #tpu.memory_space<hbm>>, %arg6: memref<4096xf32, #tpu.memory_space<hbm>>, %arg7: memref<18432xi32, #tpu.memory_space<vmem>>, %arg8: memref<18432xi32, #tpu.memory_space<vmem>>, %arg9: memref<18432xf32, #tpu.memory_space<vmem>>, %arg10: memref<144xf32, #tpu.memory_space<vmem>>, %arg11: memref<16xf32, #tpu.memory_space<vmem>>, %arg12: memref<128xf32, #tpu.memory_space<vmem>>, %arg13: memref<1015808xf32, #tpu.memory_space<vmem_shared>>, %arg14: memref<!tpu.dma_semaphore, #tpu.memory_space<semaphore_mem>>) attributes {dimension_semantics = [#tpu.dimension_semantics<core_parallel>, #tpu.dimension_semantics<subcore_parallel>], iteration_bounds = array<i64: 2, 16>, scalar_prefetch = 0 : i64, scratch_operands = 8 : i64, tpu.core_type = #tpu.core_type<sc_vector_subcore>, window_params = [{transform_indices = #map}, {transform_indices = #map1}, {transform_indices = #map1}, {transform_indices = #map1}, {transform_indices = #map1}]} {
    %mul3A = arith.constant 2 : i32
    %mul3A_0 = arith.muli %arg1, %mul3A : i32
    %add3A = arith.addi %mul3A_0, %arg0 : i32
    %mul3A_1 = arith.constant 128 : i32
    %mul3A_2 = arith.muli %add3A, %mul3A_1 : i32
    %multiple_of3A = tpu.assume_multiple %mul3A_2, 128 : i32
    %eq3A = arith.constant 0 : i32
    %eq3A_3 = arith.cmpi eq, %arg1, %eq3A : i32
    %convert_element_type3A = arith.extui %eq3A_3 : i1 to i32
    %cond3A = arith.constant 0 : i32
    %cond3A_4 = arith.cmpi ne, %convert_element_type3A, %cond3A : i32
    scf.if %cond3A_4 {
      "tpu.region"() ({
        %run_scoped3A = tpu.sem_alloc : memref<!tpu.dma_semaphore, #tpu.memory_space<semaphore_mem>>
        tpu.enqueue_dma source(%arg3 : memref<1015808xf32, #tpu.memory_space<hbm>>) target(%arg13 : memref<1015808xf32, #tpu.memory_space<vmem_shared>>) target_semaphore(%run_scoped3A : memref<!tpu.dma_semaphore, #tpu.memory_space<semaphore_mem>>)
        tpu.wait_dma2 semaphore(%run_scoped3A : memref<!tpu.dma_semaphore, #tpu.memory_space<semaphore_mem>>) src(%arg3 : memref<1015808xf32, #tpu.memory_space<hbm>>) dst(%arg13 : memref<1015808xf32, #tpu.memory_space<vmem_shared>>)
        tpu.yield
      }) : () -> ()
    } else {
    }
    "tpu.region"() ({
      %run_scoped3A = tpu.sem_alloc : memref<!tpu.dma_semaphore, #tpu.memory_space<semaphore_mem>>
      %dma_start3A_151 = arith.constant 0 : i32
      %dma_start3A_152 = tpu.memref_slice %arg2[%add3A, %dma_start3A_151] : memref<32x18432xi32, #tpu.memory_space<hbm>> -> memref<1x18432xi32, #tpu.memory_space<hbm>>
      %dma_start3A_153 = tpu.memref_squeeze %dma_start3A_152 : memref<1x18432xi32, #tpu.memory_space<hbm>> -> memref<18432xi32, #tpu.memory_space<hbm>>
      %dma_start3A_154 = arith.constant 0 : i32
      %dma_start3A_155 = tpu.memref_slice %arg2[%add3A, %dma_start3A_154] : memref<32x18432xi32, #tpu.memory_space<hbm>> -> memref<1x18432xi32, #tpu.memory_space<hbm>>
      %dma_start3A_156 = tpu.memref_squeeze %dma_start3A_155 : memref<1x18432xi32, #tpu.memory_space<hbm>> -> memref<18432xi32, #tpu.memory_space<hbm>>
      tpu.enqueue_dma source(%dma_start3A_156 : memref<18432xi32, #tpu.memory_space<hbm>>) target(%arg7 : memref<18432xi32, #tpu.memory_space<vmem>>) target_semaphore(%run_scoped3A : memref<!tpu.dma_semaphore, #tpu.memory_space<semaphore_mem>>)
      %dma_wait3A_157 = arith.constant 0 : i32
      %dma_wait3A_158 = tpu.memref_slice %arg2[%add3A, %dma_wait3A_157] : memref<32x18432xi32, #tpu.memory_space<hbm>> -> memref<1x18432xi32, #tpu.memory_space<hbm>>
      %dma_wait3A_159 = tpu.memref_squeeze %dma_wait3A_158 : memref<1x18432xi32, #tpu.memory_space<hbm>> -> memref<18432xi32, #tpu.memory_space<hbm>>
      %dma_wait3A_160 = arith.constant 0 : i32
      %dma_wait3A_161 = tpu.memref_slice %arg2[%add3A, %dma_wait3A_160] : memref<32x18432xi32, #tpu.memory_space<hbm>> -> memref<1x18432xi32, #tpu.memory_space<hbm>>
      %dma_wait3A_162 = tpu.memref_squeeze %dma_wait3A_161 : memref<1x18432xi32, #tpu.memory_space<hbm>> -> memref<18432xi32, #tpu.memory_space<hbm>>
      tpu.wait_dma2 semaphore(%run_scoped3A : memref<!tpu.dma_semaphore, #tpu.memory_space<semaphore_mem>>) src(%dma_wait3A_162 : memref<18432xi32, #tpu.memory_space<hbm>>) dst(%arg7 : memref<18432xi32, #tpu.memory_space<vmem>>)
      tpu.yield
    }) : () -> ()
    "tpu.region"() ({
      %run_scoped3A = tpu.sem_alloc : memref<!tpu.dma_semaphore, #tpu.memory_space<semaphore_mem>>
      tpu.enqueue_dma source(%arg4 : memref<144xf32, #tpu.memory_space<hbm>>) target(%arg10 : memref<144xf32, #tpu.memory_space<vmem>>) target_semaphore(%run_scoped3A : memref<!tpu.dma_semaphore, #tpu.memory_space<semaphore_mem>>)
      tpu.wait_dma2 semaphore(%run_scoped3A : memref<!tpu.dma_semaphore, #tpu.memory_space<semaphore_mem>>) src(%arg4 : memref<144xf32, #tpu.memory_space<hbm>>) dst(%arg10 : memref<144xf32, #tpu.memory_space<vmem>>)
      tpu.yield
    }) : () -> ()
    "tpu.region"() ({
      %run_scoped3A = tpu.sem_alloc : memref<!tpu.dma_semaphore, #tpu.memory_space<semaphore_mem>>
      tpu.enqueue_dma source(%arg5 : memref<16xf32, #tpu.memory_space<hbm>>) target(%arg11 : memref<16xf32, #tpu.memory_space<vmem>>) target_semaphore(%run_scoped3A : memref<!tpu.dma_semaphore, #tpu.memory_space<semaphore_mem>>)
      tpu.wait_dma2 semaphore(%run_scoped3A : memref<!tpu.dma_semaphore, #tpu.memory_space<semaphore_mem>>) src(%arg5 : memref<16xf32, #tpu.memory_space<hbm>>) dst(%arg11 : memref<16xf32, #tpu.memory_space<vmem>>)
      tpu.yield
    }) : () -> ()
    %iota3A = tpu.iota {dimensions = array<i32: 0>} : vector<16xi32>
    %mul3A_5 = arith.constant 144 : i32
    %mul3A_6 = vector.broadcast %mul3A_5 : i32 to vector<16xi32>
    %mul3A_7 = arith.muli %iota3A, %mul3A_6 : vector<16xi32>
    %scan3A = arith.constant 0 : i32
    %scan3A_8 = arith.constant 0 : i32
    %scan3A_9 = arith.constant 144 : i32
    %scan3A_10 = arith.addi %scan3A_8, %scan3A_9 : i32
    %scan3A_11 = arith.constant 1 : i32
    scf.for %scan3A_151 = %scan3A_8 to %scan3A_10 step %scan3A_11  : i32 {
      %mul3A_152 = arith.constant 128 : i32
      %mul3A_153 = arith.muli %scan3A_151, %mul3A_152 : i32
      %multiple_of3A_154 = tpu.assume_multiple %mul3A_153, 128 : i32
      %add3A_155 = arith.constant 0 : i32
      %add3A_156 = vector.broadcast %add3A_155 : i32 to vector<16xi32>
      %add3A_157 = arith.addi %mul3A_7, %add3A_156 : vector<16xi32>
      %add3A_158 = vector.broadcast %scan3A_151 : i32 to vector<16xi32>
      %add3A_159 = arith.addi %add3A_157, %add3A_158 : vector<16xi32>
      %gather3A = tpu.vector_load_idx %arg7[%add3A_159] : memref<18432xi32, #tpu.memory_space<vmem>>[vector<16xi32>], vector<16xi32>,
      %add3A_160 = arith.constant 0 : i32
      %add3A_161 = arith.addi %multiple_of3A_154, %add3A_160 : i32
      %swap3A_162 = arith.index_cast %add3A_161 : i32 to index
      %swap3A_163 = tpu.vector_load %arg8[%swap3A_162] {strides = array<i32>} : memref<18432xi32, #tpu.memory_space<vmem>>, vector<16xi32>,
      tpu.vector_store %arg8[%swap3A_162], %gather3A {strides = array<i32>} : memref<18432xi32, #tpu.memory_space<vmem>>, vector<16xi32>,
      %add3A_164 = arith.constant 2304 : i32
      %add3A_165 = vector.broadcast %add3A_164 : i32 to vector<16xi32>
      %add3A_166 = arith.addi %mul3A_7, %add3A_165 : vector<16xi32>
      %add3A_167 = vector.broadcast %scan3A_151 : i32 to vector<16xi32>
      %add3A_168 = arith.addi %add3A_166, %add3A_167 : vector<16xi32>
      %gather3A_169 = tpu.vector_load_idx %arg7[%add3A_168] : memref<18432xi32, #tpu.memory_space<vmem>>[vector<16xi32>], vector<16xi32>,
      %add3A_170 = arith.constant 16 : i32
      %add3A_171 = arith.addi %multiple_of3A_154, %add3A_170 : i32
      %swap3A_172 = arith.index_cast %add3A_171 : i32 to index
      %swap3A_173 = tpu.vector_load %arg8[%swap3A_172] {strides = array<i32>} : memref<18432xi32, #tpu.memory_space<vmem>>, vector<16xi32>,
      tpu.vector_store %arg8[%swap3A_172], %gather3A_169 {strides = array<i32>} : memref<18432xi32, #tpu.memory_space<vmem>>, vector<16xi32>,
      %add3A_174 = arith.constant 4608 : i32
      %add3A_175 = vector.broadcast %add3A_174 : i32 to vector<16xi32>
      %add3A_176 = arith.addi %mul3A_7, %add3A_175 : vector<16xi32>
      %add3A_177 = vector.broadcast %scan3A_151 : i32 to vector<16xi32>
      %add3A_178 = arith.addi %add3A_176, %add3A_177 : vector<16xi32>
      %gather3A_179 = tpu.vector_load_idx %arg7[%add3A_178] : memref<18432xi32, #tpu.memory_space<vmem>>[vector<16xi32>], vector<16xi32>,
      %add3A_180 = arith.constant 32 : i32
      %add3A_181 = arith.addi %multiple_of3A_154, %add3A_180 : i32
      %swap3A_182 = arith.index_cast %add3A_181 : i32 to index
      %swap3A_183 = tpu.vector_load %arg8[%swap3A_182] {strides = array<i32>} : memref<18432xi32, #tpu.memory_space<vmem>>, vector<16xi32>,
      tpu.vector_store %arg8[%swap3A_182], %gather3A_179 {strides = array<i32>} : memref<18432xi32, #tpu.memory_space<vmem>>, vector<16xi32>,
      %add3A_184 = arith.constant 6912 : i32
      %add3A_185 = vector.broadcast %add3A_184 : i32 to vector<16xi32>
      %add3A_186 = arith.addi %mul3A_7, %add3A_185 : vector<16xi32>
      %add3A_187 = vector.broadcast %scan3A_151 : i32 to vector<16xi32>
      %add3A_188 = arith.addi %add3A_186, %add3A_187 : vector<16xi32>
      %gather3A_189 = tpu.vector_load_idx %arg7[%add3A_188] : memref<18432xi32, #tpu.memory_space<vmem>>[vector<16xi32>], vector<16xi32>,
      %add3A_190 = arith.constant 48 : i32
      %add3A_191 = arith.addi %multiple_of3A_154, %add3A_190 : i32
      %swap3A_192 = arith.index_cast %add3A_191 : i32 to index
      %swap3A_193 = tpu.vector_load %arg8[%swap3A_192] {strides = array<i32>} : memref<18432xi32, #tpu.memory_space<vmem>>, vector<16xi32>,
      tpu.vector_store %arg8[%swap3A_192], %gather3A_189 {strides = array<i32>} : memref<18432xi32, #tpu.memory_space<vmem>>, vector<16xi32>,
      %add3A_194 = arith.constant 9216 : i32
      %add3A_195 = vector.broadcast %add3A_194 : i32 to vector<16xi32>
      %add3A_196 = arith.addi %mul3A_7, %add3A_195 : vector<16xi32>
      %add3A_197 = vector.broadcast %scan3A_151 : i32 to vector<16xi32>
      %add3A_198 = arith.addi %add3A_196, %add3A_197 : vector<16xi32>
      %gather3A_199 = tpu.vector_load_idx %arg7[%add3A_198] : memref<18432xi32, #tpu.memory_space<vmem>>[vector<16xi32>], vector<16xi32>,
      %add3A_200 = arith.constant 64 : i32
      %add3A_201 = arith.addi %multiple_of3A_154, %add3A_200 : i32
      %swap3A_202 = arith.index_cast %add3A_201 : i32 to index
      %swap3A_203 = tpu.vector_load %arg8[%swap3A_202] {strides = array<i32>} : memref<18432xi32, #tpu.memory_space<vmem>>, vector<16xi32>,
      tpu.vector_store %arg8[%swap3A_202], %gather3A_199 {strides = array<i32>} : memref<18432xi32, #tpu.memory_space<vmem>>, vector<16xi32>,
      %add3A_204 = arith.constant 11520 : i32
      %add3A_205 = vector.broadcast %add3A_204 : i32 to vector<16xi32>
      %add3A_206 = arith.addi %mul3A_7, %add3A_205 : vector<16xi32>
      %add3A_207 = vector.broadcast %scan3A_151 : i32 to vector<16xi32>
      %add3A_208 = arith.addi %add3A_206, %add3A_207 : vector<16xi32>
      %gather3A_209 = tpu.vector_load_idx %arg7[%add3A_208] : memref<18432xi32, #tpu.memory_space<vmem>>[vector<16xi32>], vector<16xi32>,
      %add3A_210 = arith.constant 80 : i32
      %add3A_211 = arith.addi %multiple_of3A_154, %add3A_210 : i32
      %swap3A_212 = arith.index_cast %add3A_211 : i32 to index
      %swap3A_213 = tpu.vector_load %arg8[%swap3A_212] {strides = array<i32>} : memref<18432xi32, #tpu.memory_space<vmem>>, vector<16xi32>,
      tpu.vector_store %arg8[%swap3A_212], %gather3A_209 {strides = array<i32>} : memref<18432xi32, #tpu.memory_space<vmem>>, vector<16xi32>,
      %add3A_214 = arith.constant 13824 : i32
      %add3A_215 = vector.broadcast %add3A_214 : i32 to vector<16xi32>
      %add3A_216 = arith.addi %mul3A_7, %add3A_215 : vector<16xi32>
      %add3A_217 = vector.broadcast %scan3A_151 : i32 to vector<16xi32>
      %add3A_218 = arith.addi %add3A_216, %add3A_217 : vector<16xi32>
      %gather3A_219 = tpu.vector_load_idx %arg7[%add3A_218] : memref<18432xi32, #tpu.memory_space<vmem>>[vector<16xi32>], vector<16xi32>,
      %add3A_220 = arith.constant 96 : i32
      %add3A_221 = arith.addi %multiple_of3A_154, %add3A_220 : i32
      %swap3A_222 = arith.index_cast %add3A_221 : i32 to index
      %swap3A_223 = tpu.vector_load %arg8[%swap3A_222] {strides = array<i32>} : memref<18432xi32, #tpu.memory_space<vmem>>, vector<16xi32>,
      tpu.vector_store %arg8[%swap3A_222], %gather3A_219 {strides = array<i32>} : memref<18432xi32, #tpu.memory_space<vmem>>, vector<16xi32>,
      %add3A_224 = arith.constant 16128 : i32
      %add3A_225 = vector.broadcast %add3A_224 : i32 to vector<16xi32>
      %add3A_226 = arith.addi %mul3A_7, %add3A_225 : vector<16xi32>
      %add3A_227 = vector.broadcast %scan3A_151 : i32 to vector<16xi32>
      %add3A_228 = arith.addi %add3A_226, %add3A_227 : vector<16xi32>
      %gather3A_229 = tpu.vector_load_idx %arg7[%add3A_228] : memref<18432xi32, #tpu.memory_space<vmem>>[vector<16xi32>], vector<16xi32>,
      %add3A_230 = arith.constant 112 : i32
      %add3A_231 = arith.addi %multiple_of3A_154, %add3A_230 : i32
      %swap3A_232 = arith.index_cast %add3A_231 : i32 to index
      %swap3A_233 = tpu.vector_load %arg8[%swap3A_232] {strides = array<i32>} : memref<18432xi32, #tpu.memory_space<vmem>>, vector<16xi32>,
      tpu.vector_store %arg8[%swap3A_232], %gather3A_229 {strides = array<i32>} : memref<18432xi32, #tpu.memory_space<vmem>>, vector<16xi32>,
    }
    %scan3A_12 = arith.constant 144 : i32
    %barrier3A = arith.constant 0 : index
    tpu.barrier barrier_id(%barrier3A)
    %dma_start3A = arith.constant 0 : i32
    %dma_start3A_13 = tpu.memref_slice %arg13[%dma_start3A] : memref<1015808xf32, #tpu.memory_space<vmem_shared>> -> memref<1015808xf32, #tpu.memory_space<vmem_shared>>
    tpu.enqueue_indirect_dma source(%dma_start3A_13 : memref<1015808xf32, #tpu.memory_space<vmem_shared>>) target(%arg9 : memref<18432xf32, #tpu.memory_space<vmem>>) offsets(%arg8 : memref<18432xi32, #tpu.memory_space<vmem>>) semaphore(%arg14 : memref<!tpu.dma_semaphore, #tpu.memory_space<semaphore_mem>>)
    %dma_wait3A = arith.constant 0 : i32
    %dma_wait3A_14 = tpu.memref_slice %arg13[%dma_wait3A] : memref<1015808xf32, #tpu.memory_space<vmem_shared>> -> memref<1015808xf32, #tpu.memory_space<vmem_shared>>
    tpu.wait_indirect_dma semaphore(%arg14 : memref<!tpu.dma_semaphore, #tpu.memory_space<semaphore_mem>>) src(%dma_wait3A_14 : memref<1015808xf32, #tpu.memory_space<vmem_shared>>) dst(%arg9 : memref<18432xf32, #tpu.memory_space<vmem>>)
    %broadcast_in_dim3A = arith.constant 0.000000e+00 : f32
    %broadcast_in_dim3A_15 = vector.broadcast %broadcast_in_dim3A : f32 to vector<16xf32>
    %broadcast_in_dim3A_16 = arith.constant 0.000000e+00 : f32
    %broadcast_in_dim3A_17 = vector.broadcast %broadcast_in_dim3A_16 : f32 to vector<16xf32>
    %broadcast_in_dim3A_18 = arith.constant 0.000000e+00 : f32
    %broadcast_in_dim3A_19 = vector.broadcast %broadcast_in_dim3A_18 : f32 to vector<16xf32>
    %broadcast_in_dim3A_20 = arith.constant 0.000000e+00 : f32
    %broadcast_in_dim3A_21 = vector.broadcast %broadcast_in_dim3A_20 : f32 to vector<16xf32>
    %broadcast_in_dim3A_22 = arith.constant 0.000000e+00 : f32
    %broadcast_in_dim3A_23 = vector.broadcast %broadcast_in_dim3A_22 : f32 to vector<16xf32>
    %broadcast_in_dim3A_24 = arith.constant 0.000000e+00 : f32
    %broadcast_in_dim3A_25 = vector.broadcast %broadcast_in_dim3A_24 : f32 to vector<16xf32>
    %broadcast_in_dim3A_26 = arith.constant 0.000000e+00 : f32
    %broadcast_in_dim3A_27 = vector.broadcast %broadcast_in_dim3A_26 : f32 to vector<16xf32>
    %broadcast_in_dim3A_28 = arith.constant 0.000000e+00 : f32
    %broadcast_in_dim3A_29 = vector.broadcast %broadcast_in_dim3A_28 : f32 to vector<16xf32>
    %scan3A_30 = arith.constant 0 : i32
    %scan3A_31 = arith.constant 9 : i32
    %scan3A_32 = arith.addi %scan3A_30, %scan3A_31 : i32
    %scan3A_33 = arith.constant 1 : i32
    %scan3A_34:8 = scf.for %scan3A_151 = %scan3A_30 to %scan3A_32 step %scan3A_33 iter_args(%scan3A_152 = %broadcast_in_dim3A_15, %scan3A_153 = %broadcast_in_dim3A_17, %scan3A_154 = %broadcast_in_dim3A_19, %scan3A_155 = %broadcast_in_dim3A_21, %scan3A_156 = %broadcast_in_dim3A_23, %scan3A_157 = %broadcast_in_dim3A_25, %scan3A_158 = %broadcast_in_dim3A_27, %scan3A_159 = %broadcast_in_dim3A_29) -> (vector<16xf32>, vector<16xf32>, vector<16xf32>, vector<16xf32>, vector<16xf32>, vector<16xf32>, vector<16xf32>, vector<16xf32>)  : i32 {
      %mul3A_160 = arith.constant 16 : i32
      %mul3A_161 = arith.muli %scan3A_151, %mul3A_160 : i32
      %multiple_of3A_162 = tpu.assume_multiple %mul3A_161, 16 : i32
      %get3A_163 = arith.index_cast %multiple_of3A_162 : i32 to index
      %get3A_164 = tpu.vector_load %arg10[%get3A_163] {strides = array<i32>} : memref<144xf32, #tpu.memory_space<vmem>>, vector<16xf32>,
      %mul3A_165 = arith.constant 16 : i32
      %mul3A_166 = arith.muli %scan3A_151, %mul3A_165 : i32
      %mul3A_167 = arith.constant 128 : i32
      %mul3A_168 = arith.muli %mul3A_166, %mul3A_167 : i32
      %multiple_of3A_169 = tpu.assume_multiple %mul3A_168, 128 : i32
      %slice3A = vector.extract_strided_slice %get3A_164 {offsets = [0], sizes = [1], strides = [1]} : vector<16xf32> to vector<1xf32>
      %squeeze3A = vector.extract %slice3A[0] : f32 from vector<1xf32>
      %add3A_170 = arith.constant 0 : i32
      %add3A_171 = arith.addi %multiple_of3A_169, %add3A_170 : i32
      %add3A_172 = arith.constant 0 : i32
      %add3A_173 = arith.addi %add3A_171, %add3A_172 : i32
      %get3A_174 = arith.index_cast %add3A_173 : i32 to index
      %get3A_175 = tpu.vector_load %arg9[%get3A_174] {strides = array<i32>} : memref<18432xf32, #tpu.memory_space<vmem>>, vector<16xf32>,
      %mul3A_176 = vector.broadcast %squeeze3A : f32 to vector<16xf32>
      %mul3A_177 = arith.mulf %mul3A_176, %get3A_175 : vector<16xf32>
      %add3A_178 = arith.addf %scan3A_152, %mul3A_177 : vector<16xf32>
      %add3A_179 = arith.constant 16 : i32
      %add3A_180 = arith.addi %add3A_171, %add3A_179 : i32
      %get3A_181 = arith.index_cast %add3A_180 : i32 to index
      %get3A_182 = tpu.vector_load %arg9[%get3A_181] {strides = array<i32>} : memref<18432xf32, #tpu.memory_space<vmem>>, vector<16xf32>,
      %mul3A_183 = vector.broadcast %squeeze3A : f32 to vector<16xf32>
      %mul3A_184 = arith.mulf %mul3A_183, %get3A_182 : vector<16xf32>
      %add3A_185 = arith.addf %scan3A_153, %mul3A_184 : vector<16xf32>
      %add3A_186 = arith.constant 32 : i32
      %add3A_187 = arith.addi %add3A_171, %add3A_186 : i32
      %get3A_188 = arith.index_cast %add3A_187 : i32 to index
      %get3A_189 = tpu.vector_load %arg9[%get3A_188] {strides = array<i32>} : memref<18432xf32, #tpu.memory_space<vmem>>, vector<16xf32>,
      %mul3A_190 = vector.broadcast %squeeze3A : f32 to vector<16xf32>
      %mul3A_191 = arith.mulf %mul3A_190, %get3A_189 : vector<16xf32>
      %add3A_192 = arith.addf %scan3A_154, %mul3A_191 : vector<16xf32>
      %add3A_193 = arith.constant 48 : i32
      %add3A_194 = arith.addi %add3A_171, %add3A_193 : i32
      %get3A_195 = arith.index_cast %add3A_194 : i32 to index
      %get3A_196 = tpu.vector_load %arg9[%get3A_195] {strides = array<i32>} : memref<18432xf32, #tpu.memory_space<vmem>>, vector<16xf32>,
      %mul3A_197 = vector.broadcast %squeeze3A : f32 to vector<16xf32>
      %mul3A_198 = arith.mulf %mul3A_197, %get3A_196 : vector<16xf32>
      %add3A_199 = arith.addf %scan3A_155, %mul3A_198 : vector<16xf32>
      %add3A_200 = arith.constant 64 : i32
      %add3A_201 = arith.addi %add3A_171, %add3A_200 : i32
      %get3A_202 = arith.index_cast %add3A_201 : i32 to index
      %get3A_203 = tpu.vector_load %arg9[%get3A_202] {strides = array<i32>} : memref<18432xf32, #tpu.memory_space<vmem>>, vector<16xf32>,
      %mul3A_204 = vector.broadcast %squeeze3A : f32 to vector<16xf32>
      %mul3A_205 = arith.mulf %mul3A_204, %get3A_203 : vector<16xf32>
      %add3A_206 = arith.addf %scan3A_156, %mul3A_205 : vector<16xf32>
      %add3A_207 = arith.constant 80 : i32
      %add3A_208 = arith.addi %add3A_171, %add3A_207 : i32
      %get3A_209 = arith.index_cast %add3A_208 : i32 to index
      %get3A_210 = tpu.vector_load %arg9[%get3A_209] {strides = array<i32>} : memref<18432xf32, #tpu.memory_space<vmem>>, vector<16xf32>,
      %mul3A_211 = vector.broadcast %squeeze3A : f32 to vector<16xf32>
      %mul3A_212 = arith.mulf %mul3A_211, %get3A_210 : vector<16xf32>
      %add3A_213 = arith.addf %scan3A_157, %mul3A_212 : vector<16xf32>
      %add3A_214 = arith.constant 96 : i32
      %add3A_215 = arith.addi %add3A_171, %add3A_214 : i32
      %get3A_216 = arith.index_cast %add3A_215 : i32 to index
      %get3A_217 = tpu.vector_load %arg9[%get3A_216] {strides = array<i32>} : memref<18432xf32, #tpu.memory_space<vmem>>, vector<16xf32>,
      %mul3A_218 = vector.broadcast %squeeze3A : f32 to vector<16xf32>
      %mul3A_219 = arith.mulf %mul3A_218, %get3A_217 : vector<16xf32>
      %add3A_220 = arith.addf %scan3A_158, %mul3A_219 : vector<16xf32>
      %add3A_221 = arith.constant 112 : i32
      %add3A_222 = arith.addi %add3A_171, %add3A_221 : i32
      %get3A_223 = arith.index_cast %add3A_222 : i32 to index
      %get3A_224 = tpu.vector_load %arg9[%get3A_223] {strides = array<i32>} : memref<18432xf32, #tpu.memory_space<vmem>>, vector<16xf32>,
      %mul3A_225 = vector.broadcast %squeeze3A : f32 to vector<16xf32>
      %mul3A_226 = arith.mulf %mul3A_225, %get3A_224 : vector<16xf32>
      %add3A_227 = arith.addf %scan3A_159, %mul3A_226 : vector<16xf32>
      %slice3A_228 = vector.extract_strided_slice %get3A_164 {offsets = [1], sizes = [1], strides = [1]} : vector<16xf32> to vector<1xf32>
      %squeeze3A_229 = vector.extract %slice3A_228[0] : f32 from vector<1xf32>
      %add3A_230 = arith.constant 128 : i32
      %add3A_231 = arith.addi %multiple_of3A_169, %add3A_230 : i32
      %add3A_232 = arith.constant 0 : i32
      %add3A_233 = arith.addi %add3A_231, %add3A_232 : i32
      %get3A_234 = arith.index_cast %add3A_233 : i32 to index
      %get3A_235 = tpu.vector_load %arg9[%get3A_234] {strides = array<i32>} : memref<18432xf32, #tpu.memory_space<vmem>>, vector<16xf32>,
      %mul3A_236 = vector.broadcast %squeeze3A_229 : f32 to vector<16xf32>
      %mul3A_237 = arith.mulf %mul3A_236, %get3A_235 : vector<16xf32>
      %add3A_238 = arith.addf %add3A_178, %mul3A_237 : vector<16xf32>
      %add3A_239 = arith.constant 16 : i32
      %add3A_240 = arith.addi %add3A_231, %add3A_239 : i32
      %get3A_241 = arith.index_cast %add3A_240 : i32 to index
      %get3A_242 = tpu.vector_load %arg9[%get3A_241] {strides = array<i32>} : memref<18432xf32, #tpu.memory_space<vmem>>, vector<16xf32>,
      %mul3A_243 = vector.broadcast %squeeze3A_229 : f32 to vector<16xf32>
      %mul3A_244 = arith.mulf %mul3A_243, %get3A_242 : vector<16xf32>
      %add3A_245 = arith.addf %add3A_185, %mul3A_244 : vector<16xf32>
      %add3A_246 = arith.constant 32 : i32
      %add3A_247 = arith.addi %add3A_231, %add3A_246 : i32
      %get3A_248 = arith.index_cast %add3A_247 : i32 to index
      %get3A_249 = tpu.vector_load %arg9[%get3A_248] {strides = array<i32>} : memref<18432xf32, #tpu.memory_space<vmem>>, vector<16xf32>,
      %mul3A_250 = vector.broadcast %squeeze3A_229 : f32 to vector<16xf32>
      %mul3A_251 = arith.mulf %mul3A_250, %get3A_249 : vector<16xf32>
      %add3A_252 = arith.addf %add3A_192, %mul3A_251 : vector<16xf32>
      %add3A_253 = arith.constant 48 : i32
      %add3A_254 = arith.addi %add3A_231, %add3A_253 : i32
      %get3A_255 = arith.index_cast %add3A_254 : i32 to index
      %get3A_256 = tpu.vector_load %arg9[%get3A_255] {strides = array<i32>} : memref<18432xf32, #tpu.memory_space<vmem>>, vector<16xf32>,
      %mul3A_257 = vector.broadcast %squeeze3A_229 : f32 to vector<16xf32>
      %mul3A_258 = arith.mulf %mul3A_257, %get3A_256 : vector<16xf32>
      %add3A_259 = arith.addf %add3A_199, %mul3A_258 : vector<16xf32>
      %add3A_260 = arith.constant 64 : i32
      %add3A_261 = arith.addi %add3A_231, %add3A_260 : i32
      %get3A_262 = arith.index_cast %add3A_261 : i32 to index
      %get3A_263 = tpu.vector_load %arg9[%get3A_262] {strides = array<i32>} : memref<18432xf32, #tpu.memory_space<vmem>>, vector<16xf32>,
      %mul3A_264 = vector.broadcast %squeeze3A_229 : f32 to vector<16xf32>
      %mul3A_265 = arith.mulf %mul3A_264, %get3A_263 : vector<16xf32>
      %add3A_266 = arith.addf %add3A_206, %mul3A_265 : vector<16xf32>
      %add3A_267 = arith.constant 80 : i32
      %add3A_268 = arith.addi %add3A_231, %add3A_267 : i32
      %get3A_269 = arith.index_cast %add3A_268 : i32 to index
      %get3A_270 = tpu.vector_load %arg9[%get3A_269] {strides = array<i32>} : memref<18432xf32, #tpu.memory_space<vmem>>, vector<16xf32>,
      %mul3A_271 = vector.broadcast %squeeze3A_229 : f32 to vector<16xf32>
      %mul3A_272 = arith.mulf %mul3A_271, %get3A_270 : vector<16xf32>
      %add3A_273 = arith.addf %add3A_213, %mul3A_272 : vector<16xf32>
      %add3A_274 = arith.constant 96 : i32
      %add3A_275 = arith.addi %add3A_231, %add3A_274 : i32
      %get3A_276 = arith.index_cast %add3A_275 : i32 to index
      %get3A_277 = tpu.vector_load %arg9[%get3A_276] {strides = array<i32>} : memref<18432xf32, #tpu.memory_space<vmem>>, vector<16xf32>,
      %mul3A_278 = vector.broadcast %squeeze3A_229 : f32 to vector<16xf32>
      %mul3A_279 = arith.mulf %mul3A_278, %get3A_277 : vector<16xf32>
      %add3A_280 = arith.addf %add3A_220, %mul3A_279 : vector<16xf32>
      %add3A_281 = arith.constant 112 : i32
      %add3A_282 = arith.addi %add3A_231, %add3A_281 : i32
      %get3A_283 = arith.index_cast %add3A_282 : i32 to index
      %get3A_284 = tpu.vector_load %arg9[%get3A_283] {strides = array<i32>} : memref<18432xf32, #tpu.memory_space<vmem>>, vector<16xf32>,
      %mul3A_285 = vector.broadcast %squeeze3A_229 : f32 to vector<16xf32>
      %mul3A_286 = arith.mulf %mul3A_285, %get3A_284 : vector<16xf32>
      %add3A_287 = arith.addf %add3A_227, %mul3A_286 : vector<16xf32>
      %slice3A_288 = vector.extract_strided_slice %get3A_164 {offsets = [2], sizes = [1], strides = [1]} : vector<16xf32> to vector<1xf32>
      %squeeze3A_289 = vector.extract %slice3A_288[0] : f32 from vector<1xf32>
      %add3A_290 = arith.constant 256 : i32
      %add3A_291 = arith.addi %multiple_of3A_169, %add3A_290 : i32
      %add3A_292 = arith.constant 0 : i32
      %add3A_293 = arith.addi %add3A_291, %add3A_292 : i32
      %get3A_294 = arith.index_cast %add3A_293 : i32 to index
      %get3A_295 = tpu.vector_load %arg9[%get3A_294] {strides = array<i32>} : memref<18432xf32, #tpu.memory_space<vmem>>, vector<16xf32>,
      %mul3A_296 = vector.broadcast %squeeze3A_289 : f32 to vector<16xf32>
      %mul3A_297 = arith.mulf %mul3A_296, %get3A_295 : vector<16xf32>
      %add3A_298 = arith.addf %add3A_238, %mul3A_297 : vector<16xf32>
      %add3A_299 = arith.constant 16 : i32
      %add3A_300 = arith.addi %add3A_291, %add3A_299 : i32
      %get3A_301 = arith.index_cast %add3A_300 : i32 to index
      %get3A_302 = tpu.vector_load %arg9[%get3A_301] {strides = array<i32>} : memref<18432xf32, #tpu.memory_space<vmem>>, vector<16xf32>,
      %mul3A_303 = vector.broadcast %squeeze3A_289 : f32 to vector<16xf32>
      %mul3A_304 = arith.mulf %mul3A_303, %get3A_302 : vector<16xf32>
      %add3A_305 = arith.addf %add3A_245, %mul3A_304 : vector<16xf32>
      %add3A_306 = arith.constant 32 : i32
      %add3A_307 = arith.addi %add3A_291, %add3A_306 : i32
      %get3A_308 = arith.index_cast %add3A_307 : i32 to index
      %get3A_309 = tpu.vector_load %arg9[%get3A_308] {strides = array<i32>} : memref<18432xf32, #tpu.memory_space<vmem>>, vector<16xf32>,
      %mul3A_310 = vector.broadcast %squeeze3A_289 : f32 to vector<16xf32>
      %mul3A_311 = arith.mulf %mul3A_310, %get3A_309 : vector<16xf32>
      %add3A_312 = arith.addf %add3A_252, %mul3A_311 : vector<16xf32>
      %add3A_313 = arith.constant 48 : i32
      %add3A_314 = arith.addi %add3A_291, %add3A_313 : i32
      %get3A_315 = arith.index_cast %add3A_314 : i32 to index
      %get3A_316 = tpu.vector_load %arg9[%get3A_315] {strides = array<i32>} : memref<18432xf32, #tpu.memory_space<vmem>>, vector<16xf32>,
      %mul3A_317 = vector.broadcast %squeeze3A_289 : f32 to vector<16xf32>
      %mul3A_318 = arith.mulf %mul3A_317, %get3A_316 : vector<16xf32>
      %add3A_319 = arith.addf %add3A_259, %mul3A_318 : vector<16xf32>
      %add3A_320 = arith.constant 64 : i32
      %add3A_321 = arith.addi %add3A_291, %add3A_320 : i32
      %get3A_322 = arith.index_cast %add3A_321 : i32 to index
      %get3A_323 = tpu.vector_load %arg9[%get3A_322] {strides = array<i32>} : memref<18432xf32, #tpu.memory_space<vmem>>, vector<16xf32>,
      %mul3A_324 = vector.broadcast %squeeze3A_289 : f32 to vector<16xf32>
      %mul3A_325 = arith.mulf %mul3A_324, %get3A_323 : vector<16xf32>
      %add3A_326 = arith.addf %add3A_266, %mul3A_325 : vector<16xf32>
      %add3A_327 = arith.constant 80 : i32
      %add3A_328 = arith.addi %add3A_291, %add3A_327 : i32
      %get3A_329 = arith.index_cast %add3A_328 : i32 to index
      %get3A_330 = tpu.vector_load %arg9[%get3A_329] {strides = array<i32>} : memref<18432xf32, #tpu.memory_space<vmem>>, vector<16xf32>,
      %mul3A_331 = vector.broadcast %squeeze3A_289 : f32 to vector<16xf32>
      %mul3A_332 = arith.mulf %mul3A_331, %get3A_330 : vector<16xf32>
      %add3A_333 = arith.addf %add3A_273, %mul3A_332 : vector<16xf32>
      %add3A_334 = arith.constant 96 : i32
      %add3A_335 = arith.addi %add3A_291, %add3A_334 : i32
      %get3A_336 = arith.index_cast %add3A_335 : i32 to index
      %get3A_337 = tpu.vector_load %arg9[%get3A_336] {strides = array<i32>} : memref<18432xf32, #tpu.memory_space<vmem>>, vector<16xf32>,
      %mul3A_338 = vector.broadcast %squeeze3A_289 : f32 to vector<16xf32>
      %mul3A_339 = arith.mulf %mul3A_338, %get3A_337 : vector<16xf32>
      %add3A_340 = arith.addf %add3A_280, %mul3A_339 : vector<16xf32>
      %add3A_341 = arith.constant 112 : i32
      %add3A_342 = arith.addi %add3A_291, %add3A_341 : i32
      %get3A_343 = arith.index_cast %add3A_342 : i32 to index
      %get3A_344 = tpu.vector_load %arg9[%get3A_343] {strides = array<i32>} : memref<18432xf32, #tpu.memory_space<vmem>>, vector<16xf32>,
      %mul3A_345 = vector.broadcast %squeeze3A_289 : f32 to vector<16xf32>
      %mul3A_346 = arith.mulf %mul3A_345, %get3A_344 : vector<16xf32>
      %add3A_347 = arith.addf %add3A_287, %mul3A_346 : vector<16xf32>
      %slice3A_348 = vector.extract_strided_slice %get3A_164 {offsets = [3], sizes = [1], strides = [1]} : vector<16xf32> to vector<1xf32>
      %squeeze3A_349 = vector.extract %slice3A_348[0] : f32 from vector<1xf32>
      %add3A_350 = arith.constant 384 : i32
      %add3A_351 = arith.addi %multiple_of3A_169, %add3A_350 : i32
      %add3A_352 = arith.constant 0 : i32
      %add3A_353 = arith.addi %add3A_351, %add3A_352 : i32
      %get3A_354 = arith.index_cast %add3A_353 : i32 to index
      %get3A_355 = tpu.vector_load %arg9[%get3A_354] {strides = array<i32>} : memref<18432xf32, #tpu.memory_space<vmem>>, vector<16xf32>,
      %mul3A_356 = vector.broadcast %squeeze3A_349 : f32 to vector<16xf32>
      %mul3A_357 = arith.mulf %mul3A_356, %get3A_355 : vector<16xf32>
      %add3A_358 = arith.addf %add3A_298, %mul3A_357 : vector<16xf32>
      %add3A_359 = arith.constant 16 : i32
      %add3A_360 = arith.addi %add3A_351, %add3A_359 : i32
      %get3A_361 = arith.index_cast %add3A_360 : i32 to index
      %get3A_362 = tpu.vector_load %arg9[%get3A_361] {strides = array<i32>} : memref<18432xf32, #tpu.memory_space<vmem>>, vector<16xf32>,
      %mul3A_363 = vector.broadcast %squeeze3A_349 : f32 to vector<16xf32>
      %mul3A_364 = arith.mulf %mul3A_363, %get3A_362 : vector<16xf32>
      %add3A_365 = arith.addf %add3A_305, %mul3A_364 : vector<16xf32>
      %add3A_366 = arith.constant 32 : i32
      %add3A_367 = arith.addi %add3A_351, %add3A_366 : i32
      %get3A_368 = arith.index_cast %add3A_367 : i32 to index
      %get3A_369 = tpu.vector_load %arg9[%get3A_368] {strides = array<i32>} : memref<18432xf32, #tpu.memory_space<vmem>>, vector<16xf32>,
      %mul3A_370 = vector.broadcast %squeeze3A_349 : f32 to vector<16xf32>
      %mul3A_371 = arith.mulf %mul3A_370, %get3A_369 : vector<16xf32>
      %add3A_372 = arith.addf %add3A_312, %mul3A_371 : vector<16xf32>
      %add3A_373 = arith.constant 48 : i32
      %add3A_374 = arith.addi %add3A_351, %add3A_373 : i32
      %get3A_375 = arith.index_cast %add3A_374 : i32 to index
      %get3A_376 = tpu.vector_load %arg9[%get3A_375] {strides = array<i32>} : memref<18432xf32, #tpu.memory_space<vmem>>, vector<16xf32>,
      %mul3A_377 = vector.broadcast %squeeze3A_349 : f32 to vector<16xf32>
      %mul3A_378 = arith.mulf %mul3A_377, %get3A_376 : vector<16xf32>
      %add3A_379 = arith.addf %add3A_319, %mul3A_378 : vector<16xf32>
      %add3A_380 = arith.constant 64 : i32
      %add3A_381 = arith.addi %add3A_351, %add3A_380 : i32
      %get3A_382 = arith.index_cast %add3A_381 : i32 to index
      %get3A_383 = tpu.vector_load %arg9[%get3A_382] {strides = array<i32>} : memref<18432xf32, #tpu.memory_space<vmem>>, vector<16xf32>,
      %mul3A_384 = vector.broadcast %squeeze3A_349 : f32 to vector<16xf32>
      %mul3A_385 = arith.mulf %mul3A_384, %get3A_383 : vector<16xf32>
      %add3A_386 = arith.addf %add3A_326, %mul3A_385 : vector<16xf32>
      %add3A_387 = arith.constant 80 : i32
      %add3A_388 = arith.addi %add3A_351, %add3A_387 : i32
      %get3A_389 = arith.index_cast %add3A_388 : i32 to index
      %get3A_390 = tpu.vector_load %arg9[%get3A_389] {strides = array<i32>} : memref<18432xf32, #tpu.memory_space<vmem>>, vector<16xf32>,
      %mul3A_391 = vector.broadcast %squeeze3A_349 : f32 to vector<16xf32>
      %mul3A_392 = arith.mulf %mul3A_391, %get3A_390 : vector<16xf32>
      %add3A_393 = arith.addf %add3A_333, %mul3A_392 : vector<16xf32>
      %add3A_394 = arith.constant 96 : i32
      %add3A_395 = arith.addi %add3A_351, %add3A_394 : i32
      %get3A_396 = arith.index_cast %add3A_395 : i32 to index
      %get3A_397 = tpu.vector_load %arg9[%get3A_396] {strides = array<i32>} : memref<18432xf32, #tpu.memory_space<vmem>>, vector<16xf32>,
      %mul3A_398 = vector.broadcast %squeeze3A_349 : f32 to vector<16xf32>
      %mul3A_399 = arith.mulf %mul3A_398, %get3A_397 : vector<16xf32>
      %add3A_400 = arith.addf %add3A_340, %mul3A_399 : vector<16xf32>
      %add3A_401 = arith.constant 112 : i32
      %add3A_402 = arith.addi %add3A_351, %add3A_401 : i32
      %get3A_403 = arith.index_cast %add3A_402 : i32 to index
      %get3A_404 = tpu.vector_load %arg9[%get3A_403] {strides = array<i32>} : memref<18432xf32, #tpu.memory_space<vmem>>, vector<16xf32>,
      %mul3A_405 = vector.broadcast %squeeze3A_349 : f32 to vector<16xf32>
      %mul3A_406 = arith.mulf %mul3A_405, %get3A_404 : vector<16xf32>
      %add3A_407 = arith.addf %add3A_347, %mul3A_406 : vector<16xf32>
      %slice3A_408 = vector.extract_strided_slice %get3A_164 {offsets = [4], sizes = [1], strides = [1]} : vector<16xf32> to vector<1xf32>
      %squeeze3A_409 = vector.extract %slice3A_408[0] : f32 from vector<1xf32>
      %add3A_410 = arith.constant 512 : i32
      %add3A_411 = arith.addi %multiple_of3A_169, %add3A_410 : i32
      %add3A_412 = arith.constant 0 : i32
      %add3A_413 = arith.addi %add3A_411, %add3A_412 : i32
      %get3A_414 = arith.index_cast %add3A_413 : i32 to index
      %get3A_415 = tpu.vector_load %arg9[%get3A_414] {strides = array<i32>} : memref<18432xf32, #tpu.memory_space<vmem>>, vector<16xf32>,
      %mul3A_416 = vector.broadcast %squeeze3A_409 : f32 to vector<16xf32>
      %mul3A_417 = arith.mulf %mul3A_416, %get3A_415 : vector<16xf32>
      %add3A_418 = arith.addf %add3A_358, %mul3A_417 : vector<16xf32>
      %add3A_419 = arith.constant 16 : i32
      %add3A_420 = arith.addi %add3A_411, %add3A_419 : i32
      %get3A_421 = arith.index_cast %add3A_420 : i32 to index
      %get3A_422 = tpu.vector_load %arg9[%get3A_421] {strides = array<i32>} : memref<18432xf32, #tpu.memory_space<vmem>>, vector<16xf32>,
      %mul3A_423 = vector.broadcast %squeeze3A_409 : f32 to vector<16xf32>
      %mul3A_424 = arith.mulf %mul3A_423, %get3A_422 : vector<16xf32>
      %add3A_425 = arith.addf %add3A_365, %mul3A_424 : vector<16xf32>
      %add3A_426 = arith.constant 32 : i32
      %add3A_427 = arith.addi %add3A_411, %add3A_426 : i32
      %get3A_428 = arith.index_cast %add3A_427 : i32 to index
      %get3A_429 = tpu.vector_load %arg9[%get3A_428] {strides = array<i32>} : memref<18432xf32, #tpu.memory_space<vmem>>, vector<16xf32>,
      %mul3A_430 = vector.broadcast %squeeze3A_409 : f32 to vector<16xf32>
      %mul3A_431 = arith.mulf %mul3A_430, %get3A_429 : vector<16xf32>
      %add3A_432 = arith.addf %add3A_372, %mul3A_431 : vector<16xf32>
      %add3A_433 = arith.constant 48 : i32
      %add3A_434 = arith.addi %add3A_411, %add3A_433 : i32
      %get3A_435 = arith.index_cast %add3A_434 : i32 to index
      %get3A_436 = tpu.vector_load %arg9[%get3A_435] {strides = array<i32>} : memref<18432xf32, #tpu.memory_space<vmem>>, vector<16xf32>,
      %mul3A_437 = vector.broadcast %squeeze3A_409 : f32 to vector<16xf32>
      %mul3A_438 = arith.mulf %mul3A_437, %get3A_436 : vector<16xf32>
      %add3A_439 = arith.addf %add3A_379, %mul3A_438 : vector<16xf32>
      %add3A_440 = arith.constant 64 : i32
      %add3A_441 = arith.addi %add3A_411, %add3A_440 : i32
      %get3A_442 = arith.index_cast %add3A_441 : i32 to index
      %get3A_443 = tpu.vector_load %arg9[%get3A_442] {strides = array<i32>} : memref<18432xf32, #tpu.memory_space<vmem>>, vector<16xf32>,
      %mul3A_444 = vector.broadcast %squeeze3A_409 : f32 to vector<16xf32>
      %mul3A_445 = arith.mulf %mul3A_444, %get3A_443 : vector<16xf32>
      %add3A_446 = arith.addf %add3A_386, %mul3A_445 : vector<16xf32>
      %add3A_447 = arith.constant 80 : i32
      %add3A_448 = arith.addi %add3A_411, %add3A_447 : i32
      %get3A_449 = arith.index_cast %add3A_448 : i32 to index
      %get3A_450 = tpu.vector_load %arg9[%get3A_449] {strides = array<i32>} : memref<18432xf32, #tpu.memory_space<vmem>>, vector<16xf32>,
      %mul3A_451 = vector.broadcast %squeeze3A_409 : f32 to vector<16xf32>
      %mul3A_452 = arith.mulf %mul3A_451, %get3A_450 : vector<16xf32>
      %add3A_453 = arith.addf %add3A_393, %mul3A_452 : vector<16xf32>
      %add3A_454 = arith.constant 96 : i32
      %add3A_455 = arith.addi %add3A_411, %add3A_454 : i32
      %get3A_456 = arith.index_cast %add3A_455 : i32 to index
      %get3A_457 = tpu.vector_load %arg9[%get3A_456] {strides = array<i32>} : memref<18432xf32, #tpu.memory_space<vmem>>, vector<16xf32>,
      %mul3A_458 = vector.broadcast %squeeze3A_409 : f32 to vector<16xf32>
      %mul3A_459 = arith.mulf %mul3A_458, %get3A_457 : vector<16xf32>
      %add3A_460 = arith.addf %add3A_400, %mul3A_459 : vector<16xf32>
      %add3A_461 = arith.constant 112 : i32
      %add3A_462 = arith.addi %add3A_411, %add3A_461 : i32
      %get3A_463 = arith.index_cast %add3A_462 : i32 to index
      %get3A_464 = tpu.vector_load %arg9[%get3A_463] {strides = array<i32>} : memref<18432xf32, #tpu.memory_space<vmem>>, vector<16xf32>,
      %mul3A_465 = vector.broadcast %squeeze3A_409 : f32 to vector<16xf32>
      %mul3A_466 = arith.mulf %mul3A_465, %get3A_464 : vector<16xf32>
      %add3A_467 = arith.addf %add3A_407, %mul3A_466 : vector<16xf32>
      %slice3A_468 = vector.extract_strided_slice %get3A_164 {offsets = [5], sizes = [1], strides = [1]} : vector<16xf32> to vector<1xf32>
      %squeeze3A_469 = vector.extract %slice3A_468[0] : f32 from vector<1xf32>
      %add3A_470 = arith.constant 640 : i32
      %add3A_471 = arith.addi %multiple_of3A_169, %add3A_470 : i32
      %add3A_472 = arith.constant 0 : i32
      %add3A_473 = arith.addi %add3A_471, %add3A_472 : i32
      %get3A_474 = arith.index_cast %add3A_473 : i32 to index
      %get3A_475 = tpu.vector_load %arg9[%get3A_474] {strides = array<i32>} : memref<18432xf32, #tpu.memory_space<vmem>>, vector<16xf32>,
      %mul3A_476 = vector.broadcast %squeeze3A_469 : f32 to vector<16xf32>
      %mul3A_477 = arith.mulf %mul3A_476, %get3A_475 : vector<16xf32>
      %add3A_478 = arith.addf %add3A_418, %mul3A_477 : vector<16xf32>
      %add3A_479 = arith.constant 16 : i32
      %add3A_480 = arith.addi %add3A_471, %add3A_479 : i32
      %get3A_481 = arith.index_cast %add3A_480 : i32 to index
      %get3A_482 = tpu.vector_load %arg9[%get3A_481] {strides = array<i32>} : memref<18432xf32, #tpu.memory_space<vmem>>, vector<16xf32>,
      %mul3A_483 = vector.broadcast %squeeze3A_469 : f32 to vector<16xf32>
      %mul3A_484 = arith.mulf %mul3A_483, %get3A_482 : vector<16xf32>
      %add3A_485 = arith.addf %add3A_425, %mul3A_484 : vector<16xf32>
      %add3A_486 = arith.constant 32 : i32
      %add3A_487 = arith.addi %add3A_471, %add3A_486 : i32
      %get3A_488 = arith.index_cast %add3A_487 : i32 to index
      %get3A_489 = tpu.vector_load %arg9[%get3A_488] {strides = array<i32>} : memref<18432xf32, #tpu.memory_space<vmem>>, vector<16xf32>,
      %mul3A_490 = vector.broadcast %squeeze3A_469 : f32 to vector<16xf32>
      %mul3A_491 = arith.mulf %mul3A_490, %get3A_489 : vector<16xf32>
      %add3A_492 = arith.addf %add3A_432, %mul3A_491 : vector<16xf32>
      %add3A_493 = arith.constant 48 : i32
      %add3A_494 = arith.addi %add3A_471, %add3A_493 : i32
      %get3A_495 = arith.index_cast %add3A_494 : i32 to index
      %get3A_496 = tpu.vector_load %arg9[%get3A_495] {strides = array<i32>} : memref<18432xf32, #tpu.memory_space<vmem>>, vector<16xf32>,
      %mul3A_497 = vector.broadcast %squeeze3A_469 : f32 to vector<16xf32>
      %mul3A_498 = arith.mulf %mul3A_497, %get3A_496 : vector<16xf32>
      %add3A_499 = arith.addf %add3A_439, %mul3A_498 : vector<16xf32>
      %add3A_500 = arith.constant 64 : i32
      %add3A_501 = arith.addi %add3A_471, %add3A_500 : i32
      %get3A_502 = arith.index_cast %add3A_501 : i32 to index
      %get3A_503 = tpu.vector_load %arg9[%get3A_502] {strides = array<i32>} : memref<18432xf32, #tpu.memory_space<vmem>>, vector<16xf32>,
      %mul3A_504 = vector.broadcast %squeeze3A_469 : f32 to vector<16xf32>
      %mul3A_505 = arith.mulf %mul3A_504, %get3A_503 : vector<16xf32>
      %add3A_506 = arith.addf %add3A_446, %mul3A_505 : vector<16xf32>
      %add3A_507 = arith.constant 80 : i32
      %add3A_508 = arith.addi %add3A_471, %add3A_507 : i32
      %get3A_509 = arith.index_cast %add3A_508 : i32 to index
      %get3A_510 = tpu.vector_load %arg9[%get3A_509] {strides = array<i32>} : memref<18432xf32, #tpu.memory_space<vmem>>, vector<16xf32>,
      %mul3A_511 = vector.broadcast %squeeze3A_469 : f32 to vector<16xf32>
      %mul3A_512 = arith.mulf %mul3A_511, %get3A_510 : vector<16xf32>
      %add3A_513 = arith.addf %add3A_453, %mul3A_512 : vector<16xf32>
      %add3A_514 = arith.constant 96 : i32
      %add3A_515 = arith.addi %add3A_471, %add3A_514 : i32
      %get3A_516 = arith.index_cast %add3A_515 : i32 to index
      %get3A_517 = tpu.vector_load %arg9[%get3A_516] {strides = array<i32>} : memref<18432xf32, #tpu.memory_space<vmem>>, vector<16xf32>,
      %mul3A_518 = vector.broadcast %squeeze3A_469 : f32 to vector<16xf32>
      %mul3A_519 = arith.mulf %mul3A_518, %get3A_517 : vector<16xf32>
      %add3A_520 = arith.addf %add3A_460, %mul3A_519 : vector<16xf32>
      %add3A_521 = arith.constant 112 : i32
      %add3A_522 = arith.addi %add3A_471, %add3A_521 : i32
      %get3A_523 = arith.index_cast %add3A_522 : i32 to index
      %get3A_524 = tpu.vector_load %arg9[%get3A_523] {strides = array<i32>} : memref<18432xf32, #tpu.memory_space<vmem>>, vector<16xf32>,
      %mul3A_525 = vector.broadcast %squeeze3A_469 : f32 to vector<16xf32>
      %mul3A_526 = arith.mulf %mul3A_525, %get3A_524 : vector<16xf32>
      %add3A_527 = arith.addf %add3A_467, %mul3A_526 : vector<16xf32>
      %slice3A_528 = vector.extract_strided_slice %get3A_164 {offsets = [6], sizes = [1], strides = [1]} : vector<16xf32> to vector<1xf32>
      %squeeze3A_529 = vector.extract %slice3A_528[0] : f32 from vector<1xf32>
      %add3A_530 = arith.constant 768 : i32
      %add3A_531 = arith.addi %multiple_of3A_169, %add3A_530 : i32
      %add3A_532 = arith.constant 0 : i32
      %add3A_533 = arith.addi %add3A_531, %add3A_532 : i32
      %get3A_534 = arith.index_cast %add3A_533 : i32 to index
      %get3A_535 = tpu.vector_load %arg9[%get3A_534] {strides = array<i32>} : memref<18432xf32, #tpu.memory_space<vmem>>, vector<16xf32>,
      %mul3A_536 = vector.broadcast %squeeze3A_529 : f32 to vector<16xf32>
      %mul3A_537 = arith.mulf %mul3A_536, %get3A_535 : vector<16xf32>
      %add3A_538 = arith.addf %add3A_478, %mul3A_537 : vector<16xf32>
      %add3A_539 = arith.constant 16 : i32
      %add3A_540 = arith.addi %add3A_531, %add3A_539 : i32
      %get3A_541 = arith.index_cast %add3A_540 : i32 to index
      %get3A_542 = tpu.vector_load %arg9[%get3A_541] {strides = array<i32>} : memref<18432xf32, #tpu.memory_space<vmem>>, vector<16xf32>,
      %mul3A_543 = vector.broadcast %squeeze3A_529 : f32 to vector<16xf32>
      %mul3A_544 = arith.mulf %mul3A_543, %get3A_542 : vector<16xf32>
      %add3A_545 = arith.addf %add3A_485, %mul3A_544 : vector<16xf32>
      %add3A_546 = arith.constant 32 : i32
      %add3A_547 = arith.addi %add3A_531, %add3A_546 : i32
      %get3A_548 = arith.index_cast %add3A_547 : i32 to index
      %get3A_549 = tpu.vector_load %arg9[%get3A_548] {strides = array<i32>} : memref<18432xf32, #tpu.memory_space<vmem>>, vector<16xf32>,
      %mul3A_550 = vector.broadcast %squeeze3A_529 : f32 to vector<16xf32>
      %mul3A_551 = arith.mulf %mul3A_550, %get3A_549 : vector<16xf32>
      %add3A_552 = arith.addf %add3A_492, %mul3A_551 : vector<16xf32>
      %add3A_553 = arith.constant 48 : i32
      %add3A_554 = arith.addi %add3A_531, %add3A_553 : i32
      %get3A_555 = arith.index_cast %add3A_554 : i32 to index
      %get3A_556 = tpu.vector_load %arg9[%get3A_555] {strides = array<i32>} : memref<18432xf32, #tpu.memory_space<vmem>>, vector<16xf32>,
      %mul3A_557 = vector.broadcast %squeeze3A_529 : f32 to vector<16xf32>
      %mul3A_558 = arith.mulf %mul3A_557, %get3A_556 : vector<16xf32>
      %add3A_559 = arith.addf %add3A_499, %mul3A_558 : vector<16xf32>
      %add3A_560 = arith.constant 64 : i32
      %add3A_561 = arith.addi %add3A_531, %add3A_560 : i32
      %get3A_562 = arith.index_cast %add3A_561 : i32 to index
      %get3A_563 = tpu.vector_load %arg9[%get3A_562] {strides = array<i32>} : memref<18432xf32, #tpu.memory_space<vmem>>, vector<16xf32>,
      %mul3A_564 = vector.broadcast %squeeze3A_529 : f32 to vector<16xf32>
      %mul3A_565 = arith.mulf %mul3A_564, %get3A_563 : vector<16xf32>
      %add3A_566 = arith.addf %add3A_506, %mul3A_565 : vector<16xf32>
      %add3A_567 = arith.constant 80 : i32
      %add3A_568 = arith.addi %add3A_531, %add3A_567 : i32
      %get3A_569 = arith.index_cast %add3A_568 : i32 to index
      %get3A_570 = tpu.vector_load %arg9[%get3A_569] {strides = array<i32>} : memref<18432xf32, #tpu.memory_space<vmem>>, vector<16xf32>,
      %mul3A_571 = vector.broadcast %squeeze3A_529 : f32 to vector<16xf32>
      %mul3A_572 = arith.mulf %mul3A_571, %get3A_570 : vector<16xf32>
      %add3A_573 = arith.addf %add3A_513, %mul3A_572 : vector<16xf32>
      %add3A_574 = arith.constant 96 : i32
      %add3A_575 = arith.addi %add3A_531, %add3A_574 : i32
      %get3A_576 = arith.index_cast %add3A_575 : i32 to index
      %get3A_577 = tpu.vector_load %arg9[%get3A_576] {strides = array<i32>} : memref<18432xf32, #tpu.memory_space<vmem>>, vector<16xf32>,
      %mul3A_578 = vector.broadcast %squeeze3A_529 : f32 to vector<16xf32>
      %mul3A_579 = arith.mulf %mul3A_578, %get3A_577 : vector<16xf32>
      %add3A_580 = arith.addf %add3A_520, %mul3A_579 : vector<16xf32>
      %add3A_581 = arith.constant 112 : i32
      %add3A_582 = arith.addi %add3A_531, %add3A_581 : i32
      %get3A_583 = arith.index_cast %add3A_582 : i32 to index
      %get3A_584 = tpu.vector_load %arg9[%get3A_583] {strides = array<i32>} : memref<18432xf32, #tpu.memory_space<vmem>>, vector<16xf32>,
      %mul3A_585 = vector.broadcast %squeeze3A_529 : f32 to vector<16xf32>
      %mul3A_586 = arith.mulf %mul3A_585, %get3A_584 : vector<16xf32>
      %add3A_587 = arith.addf %add3A_527, %mul3A_586 : vector<16xf32>
      %slice3A_588 = vector.extract_strided_slice %get3A_164 {offsets = [7], sizes = [1], strides = [1]} : vector<16xf32> to vector<1xf32>
      %squeeze3A_589 = vector.extract %slice3A_588[0] : f32 from vector<1xf32>
      %add3A_590 = arith.constant 896 : i32
      %add3A_591 = arith.addi %multiple_of3A_169, %add3A_590 : i32
      %add3A_592 = arith.constant 0 : i32
      %add3A_593 = arith.addi %add3A_591, %add3A_592 : i32
      %get3A_594 = arith.index_cast %add3A_593 : i32 to index
      %get3A_595 = tpu.vector_load %arg9[%get3A_594] {strides = array<i32>} : memref<18432xf32, #tpu.memory_space<vmem>>, vector<16xf32>,
      %mul3A_596 = vector.broadcast %squeeze3A_589 : f32 to vector<16xf32>
      %mul3A_597 = arith.mulf %mul3A_596, %get3A_595 : vector<16xf32>
      %add3A_598 = arith.addf %add3A_538, %mul3A_597 : vector<16xf32>
      %add3A_599 = arith.constant 16 : i32
      %add3A_600 = arith.addi %add3A_591, %add3A_599 : i32
      %get3A_601 = arith.index_cast %add3A_600 : i32 to index
      %get3A_602 = tpu.vector_load %arg9[%get3A_601] {strides = array<i32>} : memref<18432xf32, #tpu.memory_space<vmem>>, vector<16xf32>,
      %mul3A_603 = vector.broadcast %squeeze3A_589 : f32 to vector<16xf32>
      %mul3A_604 = arith.mulf %mul3A_603, %get3A_602 : vector<16xf32>
      %add3A_605 = arith.addf %add3A_545, %mul3A_604 : vector<16xf32>
      %add3A_606 = arith.constant 32 : i32
      %add3A_607 = arith.addi %add3A_591, %add3A_606 : i32
      %get3A_608 = arith.index_cast %add3A_607 : i32 to index
      %get3A_609 = tpu.vector_load %arg9[%get3A_608] {strides = array<i32>} : memref<18432xf32, #tpu.memory_space<vmem>>, vector<16xf32>,
      %mul3A_610 = vector.broadcast %squeeze3A_589 : f32 to vector<16xf32>
      %mul3A_611 = arith.mulf %mul3A_610, %get3A_609 : vector<16xf32>
      %add3A_612 = arith.addf %add3A_552, %mul3A_611 : vector<16xf32>
      %add3A_613 = arith.constant 48 : i32
      %add3A_614 = arith.addi %add3A_591, %add3A_613 : i32
      %get3A_615 = arith.index_cast %add3A_614 : i32 to index
      %get3A_616 = tpu.vector_load %arg9[%get3A_615] {strides = array<i32>} : memref<18432xf32, #tpu.memory_space<vmem>>, vector<16xf32>,
      %mul3A_617 = vector.broadcast %squeeze3A_589 : f32 to vector<16xf32>
      %mul3A_618 = arith.mulf %mul3A_617, %get3A_616 : vector<16xf32>
      %add3A_619 = arith.addf %add3A_559, %mul3A_618 : vector<16xf32>
      %add3A_620 = arith.constant 64 : i32
      %add3A_621 = arith.addi %add3A_591, %add3A_620 : i32
      %get3A_622 = arith.index_cast %add3A_621 : i32 to index
      %get3A_623 = tpu.vector_load %arg9[%get3A_622] {strides = array<i32>} : memref<18432xf32, #tpu.memory_space<vmem>>, vector<16xf32>,
      %mul3A_624 = vector.broadcast %squeeze3A_589 : f32 to vector<16xf32>
      %mul3A_625 = arith.mulf %mul3A_624, %get3A_623 : vector<16xf32>
      %add3A_626 = arith.addf %add3A_566, %mul3A_625 : vector<16xf32>
      %add3A_627 = arith.constant 80 : i32
      %add3A_628 = arith.addi %add3A_591, %add3A_627 : i32
      %get3A_629 = arith.index_cast %add3A_628 : i32 to index
      %get3A_630 = tpu.vector_load %arg9[%get3A_629] {strides = array<i32>} : memref<18432xf32, #tpu.memory_space<vmem>>, vector<16xf32>,
      %mul3A_631 = vector.broadcast %squeeze3A_589 : f32 to vector<16xf32>
      %mul3A_632 = arith.mulf %mul3A_631, %get3A_630 : vector<16xf32>
      %add3A_633 = arith.addf %add3A_573, %mul3A_632 : vector<16xf32>
      %add3A_634 = arith.constant 96 : i32
      %add3A_635 = arith.addi %add3A_591, %add3A_634 : i32
      %get3A_636 = arith.index_cast %add3A_635 : i32 to index
      %get3A_637 = tpu.vector_load %arg9[%get3A_636] {strides = array<i32>} : memref<18432xf32, #tpu.memory_space<vmem>>, vector<16xf32>,
      %mul3A_638 = vector.broadcast %squeeze3A_589 : f32 to vector<16xf32>
      %mul3A_639 = arith.mulf %mul3A_638, %get3A_637 : vector<16xf32>
      %add3A_640 = arith.addf %add3A_580, %mul3A_639 : vector<16xf32>
      %add3A_641 = arith.constant 112 : i32
      %add3A_642 = arith.addi %add3A_591, %add3A_641 : i32
      %get3A_643 = arith.index_cast %add3A_642 : i32 to index
      %get3A_644 = tpu.vector_load %arg9[%get3A_643] {strides = array<i32>} : memref<18432xf32, #tpu.memory_space<vmem>>, vector<16xf32>,
      %mul3A_645 = vector.broadcast %squeeze3A_589 : f32 to vector<16xf32>
      %mul3A_646 = arith.mulf %mul3A_645, %get3A_644 : vector<16xf32>
      %add3A_647 = arith.addf %add3A_587, %mul3A_646 : vector<16xf32>
      %slice3A_648 = vector.extract_strided_slice %get3A_164 {offsets = [8], sizes = [1], strides = [1]} : vector<16xf32> to vector<1xf32>
      %squeeze3A_649 = vector.extract %slice3A_648[0] : f32 from vector<1xf32>
      %add3A_650 = arith.constant 1024 : i32
      %add3A_651 = arith.addi %multiple_of3A_169, %add3A_650 : i32
      %add3A_652 = arith.constant 0 : i32
      %add3A_653 = arith.addi %add3A_651, %add3A_652 : i32
      %get3A_654 = arith.index_cast %add3A_653 : i32 to index
      %get3A_655 = tpu.vector_load %arg9[%get3A_654] {strides = array<i32>} : memref<18432xf32, #tpu.memory_space<vmem>>, vector<16xf32>,
      %mul3A_656 = vector.broadcast %squeeze3A_649 : f32 to vector<16xf32>
      %mul3A_657 = arith.mulf %mul3A_656, %get3A_655 : vector<16xf32>
      %add3A_658 = arith.addf %add3A_598, %mul3A_657 : vector<16xf32>
      %add3A_659 = arith.constant 16 : i32
      %add3A_660 = arith.addi %add3A_651, %add3A_659 : i32
      %get3A_661 = arith.index_cast %add3A_660 : i32 to index
      %get3A_662 = tpu.vector_load %arg9[%get3A_661] {strides = array<i32>} : memref<18432xf32, #tpu.memory_space<vmem>>, vector<16xf32>,
      %mul3A_663 = vector.broadcast %squeeze3A_649 : f32 to vector<16xf32>
      %mul3A_664 = arith.mulf %mul3A_663, %get3A_662 : vector<16xf32>
      %add3A_665 = arith.addf %add3A_605, %mul3A_664 : vector<16xf32>
      %add3A_666 = arith.constant 32 : i32
      %add3A_667 = arith.addi %add3A_651, %add3A_666 : i32
      %get3A_668 = arith.index_cast %add3A_667 : i32 to index
      %get3A_669 = tpu.vector_load %arg9[%get3A_668] {strides = array<i32>} : memref<18432xf32, #tpu.memory_space<vmem>>, vector<16xf32>,
      %mul3A_670 = vector.broadcast %squeeze3A_649 : f32 to vector<16xf32>
      %mul3A_671 = arith.mulf %mul3A_670, %get3A_669 : vector<16xf32>
      %add3A_672 = arith.addf %add3A_612, %mul3A_671 : vector<16xf32>
      %add3A_673 = arith.constant 48 : i32
      %add3A_674 = arith.addi %add3A_651, %add3A_673 : i32
      %get3A_675 = arith.index_cast %add3A_674 : i32 to index
      %get3A_676 = tpu.vector_load %arg9[%get3A_675] {strides = array<i32>} : memref<18432xf32, #tpu.memory_space<vmem>>, vector<16xf32>,
      %mul3A_677 = vector.broadcast %squeeze3A_649 : f32 to vector<16xf32>
      %mul3A_678 = arith.mulf %mul3A_677, %get3A_676 : vector<16xf32>
      %add3A_679 = arith.addf %add3A_619, %mul3A_678 : vector<16xf32>
      %add3A_680 = arith.constant 64 : i32
      %add3A_681 = arith.addi %add3A_651, %add3A_680 : i32
      %get3A_682 = arith.index_cast %add3A_681 : i32 to index
      %get3A_683 = tpu.vector_load %arg9[%get3A_682] {strides = array<i32>} : memref<18432xf32, #tpu.memory_space<vmem>>, vector<16xf32>,
      %mul3A_684 = vector.broadcast %squeeze3A_649 : f32 to vector<16xf32>
      %mul3A_685 = arith.mulf %mul3A_684, %get3A_683 : vector<16xf32>
      %add3A_686 = arith.addf %add3A_626, %mul3A_685 : vector<16xf32>
      %add3A_687 = arith.constant 80 : i32
      %add3A_688 = arith.addi %add3A_651, %add3A_687 : i32
      %get3A_689 = arith.index_cast %add3A_688 : i32 to index
      %get3A_690 = tpu.vector_load %arg9[%get3A_689] {strides = array<i32>} : memref<18432xf32, #tpu.memory_space<vmem>>, vector<16xf32>,
      %mul3A_691 = vector.broadcast %squeeze3A_649 : f32 to vector<16xf32>
      %mul3A_692 = arith.mulf %mul3A_691, %get3A_690 : vector<16xf32>
      %add3A_693 = arith.addf %add3A_633, %mul3A_692 : vector<16xf32>
      %add3A_694 = arith.constant 96 : i32
      %add3A_695 = arith.addi %add3A_651, %add3A_694 : i32
      %get3A_696 = arith.index_cast %add3A_695 : i32 to index
      %get3A_697 = tpu.vector_load %arg9[%get3A_696] {strides = array<i32>} : memref<18432xf32, #tpu.memory_space<vmem>>, vector<16xf32>,
      %mul3A_698 = vector.broadcast %squeeze3A_649 : f32 to vector<16xf32>
      %mul3A_699 = arith.mulf %mul3A_698, %get3A_697 : vector<16xf32>
      %add3A_700 = arith.addf %add3A_640, %mul3A_699 : vector<16xf32>
      %add3A_701 = arith.constant 112 : i32
      %add3A_702 = arith.addi %add3A_651, %add3A_701 : i32
      %get3A_703 = arith.index_cast %add3A_702 : i32 to index
      %get3A_704 = tpu.vector_load %arg9[%get3A_703] {strides = array<i32>} : memref<18432xf32, #tpu.memory_space<vmem>>, vector<16xf32>,
      %mul3A_705 = vector.broadcast %squeeze3A_649 : f32 to vector<16xf32>
      %mul3A_706 = arith.mulf %mul3A_705, %get3A_704 : vector<16xf32>
      %add3A_707 = arith.addf %add3A_647, %mul3A_706 : vector<16xf32>
      %slice3A_708 = vector.extract_strided_slice %get3A_164 {offsets = [9], sizes = [1], strides = [1]} : vector<16xf32> to vector<1xf32>
      %squeeze3A_709 = vector.extract %slice3A_708[0] : f32 from vector<1xf32>
      %add3A_710 = arith.constant 1152 : i32
      %add3A_711 = arith.addi %multiple_of3A_169, %add3A_710 : i32
      %add3A_712 = arith.constant 0 : i32
      %add3A_713 = arith.addi %add3A_711, %add3A_712 : i32
      %get3A_714 = arith.index_cast %add3A_713 : i32 to index
      %get3A_715 = tpu.vector_load %arg9[%get3A_714] {strides = array<i32>} : memref<18432xf32, #tpu.memory_space<vmem>>, vector<16xf32>,
      %mul3A_716 = vector.broadcast %squeeze3A_709 : f32 to vector<16xf32>
      %mul3A_717 = arith.mulf %mul3A_716, %get3A_715 : vector<16xf32>
      %add3A_718 = arith.addf %add3A_658, %mul3A_717 : vector<16xf32>
      %add3A_719 = arith.constant 16 : i32
      %add3A_720 = arith.addi %add3A_711, %add3A_719 : i32
      %get3A_721 = arith.index_cast %add3A_720 : i32 to index
      %get3A_722 = tpu.vector_load %arg9[%get3A_721] {strides = array<i32>} : memref<18432xf32, #tpu.memory_space<vmem>>, vector<16xf32>,
      %mul3A_723 = vector.broadcast %squeeze3A_709 : f32 to vector<16xf32>
      %mul3A_724 = arith.mulf %mul3A_723, %get3A_722 : vector<16xf32>
      %add3A_725 = arith.addf %add3A_665, %mul3A_724 : vector<16xf32>
      %add3A_726 = arith.constant 32 : i32
      %add3A_727 = arith.addi %add3A_711, %add3A_726 : i32
      %get3A_728 = arith.index_cast %add3A_727 : i32 to index
      %get3A_729 = tpu.vector_load %arg9[%get3A_728] {strides = array<i32>} : memref<18432xf32, #tpu.memory_space<vmem>>, vector<16xf32>,
      %mul3A_730 = vector.broadcast %squeeze3A_709 : f32 to vector<16xf32>
      %mul3A_731 = arith.mulf %mul3A_730, %get3A_729 : vector<16xf32>
      %add3A_732 = arith.addf %add3A_672, %mul3A_731 : vector<16xf32>
      %add3A_733 = arith.constant 48 : i32
      %add3A_734 = arith.addi %add3A_711, %add3A_733 : i32
      %get3A_735 = arith.index_cast %add3A_734 : i32 to index
      %get3A_736 = tpu.vector_load %arg9[%get3A_735] {strides = array<i32>} : memref<18432xf32, #tpu.memory_space<vmem>>, vector<16xf32>,
      %mul3A_737 = vector.broadcast %squeeze3A_709 : f32 to vector<16xf32>
      %mul3A_738 = arith.mulf %mul3A_737, %get3A_736 : vector<16xf32>
      %add3A_739 = arith.addf %add3A_679, %mul3A_738 : vector<16xf32>
      %add3A_740 = arith.constant 64 : i32
      %add3A_741 = arith.addi %add3A_711, %add3A_740 : i32
      %get3A_742 = arith.index_cast %add3A_741 : i32 to index
      %get3A_743 = tpu.vector_load %arg9[%get3A_742] {strides = array<i32>} : memref<18432xf32, #tpu.memory_space<vmem>>, vector<16xf32>,
      %mul3A_744 = vector.broadcast %squeeze3A_709 : f32 to vector<16xf32>
      %mul3A_745 = arith.mulf %mul3A_744, %get3A_743 : vector<16xf32>
      %add3A_746 = arith.addf %add3A_686, %mul3A_745 : vector<16xf32>
      %add3A_747 = arith.constant 80 : i32
      %add3A_748 = arith.addi %add3A_711, %add3A_747 : i32
      %get3A_749 = arith.index_cast %add3A_748 : i32 to index
      %get3A_750 = tpu.vector_load %arg9[%get3A_749] {strides = array<i32>} : memref<18432xf32, #tpu.memory_space<vmem>>, vector<16xf32>,
      %mul3A_751 = vector.broadcast %squeeze3A_709 : f32 to vector<16xf32>
      %mul3A_752 = arith.mulf %mul3A_751, %get3A_750 : vector<16xf32>
      %add3A_753 = arith.addf %add3A_693, %mul3A_752 : vector<16xf32>
      %add3A_754 = arith.constant 96 : i32
      %add3A_755 = arith.addi %add3A_711, %add3A_754 : i32
      %get3A_756 = arith.index_cast %add3A_755 : i32 to index
      %get3A_757 = tpu.vector_load %arg9[%get3A_756] {strides = array<i32>} : memref<18432xf32, #tpu.memory_space<vmem>>, vector<16xf32>,
      %mul3A_758 = vector.broadcast %squeeze3A_709 : f32 to vector<16xf32>
      %mul3A_759 = arith.mulf %mul3A_758, %get3A_757 : vector<16xf32>
      %add3A_760 = arith.addf %add3A_700, %mul3A_759 : vector<16xf32>
      %add3A_761 = arith.constant 112 : i32
      %add3A_762 = arith.addi %add3A_711, %add3A_761 : i32
      %get3A_763 = arith.index_cast %add3A_762 : i32 to index
      %get3A_764 = tpu.vector_load %arg9[%get3A_763] {strides = array<i32>} : memref<18432xf32, #tpu.memory_space<vmem>>, vector<16xf32>,
      %mul3A_765 = vector.broadcast %squeeze3A_709 : f32 to vector<16xf32>
      %mul3A_766 = arith.mulf %mul3A_765, %get3A_764 : vector<16xf32>
      %add3A_767 = arith.addf %add3A_707, %mul3A_766 : vector<16xf32>
      %slice3A_768 = vector.extract_strided_slice %get3A_164 {offsets = [10], sizes = [1], strides = [1]} : vector<16xf32> to vector<1xf32>
      %squeeze3A_769 = vector.extract %slice3A_768[0] : f32 from vector<1xf32>
      %add3A_770 = arith.constant 1280 : i32
      %add3A_771 = arith.addi %multiple_of3A_169, %add3A_770 : i32
      %add3A_772 = arith.constant 0 : i32
      %add3A_773 = arith.addi %add3A_771, %add3A_772 : i32
      %get3A_774 = arith.index_cast %add3A_773 : i32 to index
      %get3A_775 = tpu.vector_load %arg9[%get3A_774] {strides = array<i32>} : memref<18432xf32, #tpu.memory_space<vmem>>, vector<16xf32>,
      %mul3A_776 = vector.broadcast %squeeze3A_769 : f32 to vector<16xf32>
      %mul3A_777 = arith.mulf %mul3A_776, %get3A_775 : vector<16xf32>
      %add3A_778 = arith.addf %add3A_718, %mul3A_777 : vector<16xf32>
      %add3A_779 = arith.constant 16 : i32
      %add3A_780 = arith.addi %add3A_771, %add3A_779 : i32
      %get3A_781 = arith.index_cast %add3A_780 : i32 to index
      %get3A_782 = tpu.vector_load %arg9[%get3A_781] {strides = array<i32>} : memref<18432xf32, #tpu.memory_space<vmem>>, vector<16xf32>,
      %mul3A_783 = vector.broadcast %squeeze3A_769 : f32 to vector<16xf32>
      %mul3A_784 = arith.mulf %mul3A_783, %get3A_782 : vector<16xf32>
      %add3A_785 = arith.addf %add3A_725, %mul3A_784 : vector<16xf32>
      %add3A_786 = arith.constant 32 : i32
      %add3A_787 = arith.addi %add3A_771, %add3A_786 : i32
      %get3A_788 = arith.index_cast %add3A_787 : i32 to index
      %get3A_789 = tpu.vector_load %arg9[%get3A_788] {strides = array<i32>} : memref<18432xf32, #tpu.memory_space<vmem>>, vector<16xf32>,
      %mul3A_790 = vector.broadcast %squeeze3A_769 : f32 to vector<16xf32>
      %mul3A_791 = arith.mulf %mul3A_790, %get3A_789 : vector<16xf32>
      %add3A_792 = arith.addf %add3A_732, %mul3A_791 : vector<16xf32>
      %add3A_793 = arith.constant 48 : i32
      %add3A_794 = arith.addi %add3A_771, %add3A_793 : i32
      %get3A_795 = arith.index_cast %add3A_794 : i32 to index
      %get3A_796 = tpu.vector_load %arg9[%get3A_795] {strides = array<i32>} : memref<18432xf32, #tpu.memory_space<vmem>>, vector<16xf32>,
      %mul3A_797 = vector.broadcast %squeeze3A_769 : f32 to vector<16xf32>
      %mul3A_798 = arith.mulf %mul3A_797, %get3A_796 : vector<16xf32>
      %add3A_799 = arith.addf %add3A_739, %mul3A_798 : vector<16xf32>
      %add3A_800 = arith.constant 64 : i32
      %add3A_801 = arith.addi %add3A_771, %add3A_800 : i32
      %get3A_802 = arith.index_cast %add3A_801 : i32 to index
      %get3A_803 = tpu.vector_load %arg9[%get3A_802] {strides = array<i32>} : memref<18432xf32, #tpu.memory_space<vmem>>, vector<16xf32>,
      %mul3A_804 = vector.broadcast %squeeze3A_769 : f32 to vector<16xf32>
      %mul3A_805 = arith.mulf %mul3A_804, %get3A_803 : vector<16xf32>
      %add3A_806 = arith.addf %add3A_746, %mul3A_805 : vector<16xf32>
      %add3A_807 = arith.constant 80 : i32
      %add3A_808 = arith.addi %add3A_771, %add3A_807 : i32
      %get3A_809 = arith.index_cast %add3A_808 : i32 to index
      %get3A_810 = tpu.vector_load %arg9[%get3A_809] {strides = array<i32>} : memref<18432xf32, #tpu.memory_space<vmem>>, vector<16xf32>,
      %mul3A_811 = vector.broadcast %squeeze3A_769 : f32 to vector<16xf32>
      %mul3A_812 = arith.mulf %mul3A_811, %get3A_810 : vector<16xf32>
      %add3A_813 = arith.addf %add3A_753, %mul3A_812 : vector<16xf32>
      %add3A_814 = arith.constant 96 : i32
      %add3A_815 = arith.addi %add3A_771, %add3A_814 : i32
      %get3A_816 = arith.index_cast %add3A_815 : i32 to index
      %get3A_817 = tpu.vector_load %arg9[%get3A_816] {strides = array<i32>} : memref<18432xf32, #tpu.memory_space<vmem>>, vector<16xf32>,
      %mul3A_818 = vector.broadcast %squeeze3A_769 : f32 to vector<16xf32>
      %mul3A_819 = arith.mulf %mul3A_818, %get3A_817 : vector<16xf32>
      %add3A_820 = arith.addf %add3A_760, %mul3A_819 : vector<16xf32>
      %add3A_821 = arith.constant 112 : i32
      %add3A_822 = arith.addi %add3A_771, %add3A_821 : i32
      %get3A_823 = arith.index_cast %add3A_822 : i32 to index
      %get3A_824 = tpu.vector_load %arg9[%get3A_823] {strides = array<i32>} : memref<18432xf32, #tpu.memory_space<vmem>>, vector<16xf32>,
      %mul3A_825 = vector.broadcast %squeeze3A_769 : f32 to vector<16xf32>
      %mul3A_826 = arith.mulf %mul3A_825, %get3A_824 : vector<16xf32>
      %add3A_827 = arith.addf %add3A_767, %mul3A_826 : vector<16xf32>
      %slice3A_828 = vector.extract_strided_slice %get3A_164 {offsets = [11], sizes = [1], strides = [1]} : vector<16xf32> to vector<1xf32>
      %squeeze3A_829 = vector.extract %slice3A_828[0] : f32 from vector<1xf32>
      %add3A_830 = arith.constant 1408 : i32
      %add3A_831 = arith.addi %multiple_of3A_169, %add3A_830 : i32
      %add3A_832 = arith.constant 0 : i32
      %add3A_833 = arith.addi %add3A_831, %add3A_832 : i32
      %get3A_834 = arith.index_cast %add3A_833 : i32 to index
      %get3A_835 = tpu.vector_load %arg9[%get3A_834] {strides = array<i32>} : memref<18432xf32, #tpu.memory_space<vmem>>, vector<16xf32>,
      %mul3A_836 = vector.broadcast %squeeze3A_829 : f32 to vector<16xf32>
      %mul3A_837 = arith.mulf %mul3A_836, %get3A_835 : vector<16xf32>
      %add3A_838 = arith.addf %add3A_778, %mul3A_837 : vector<16xf32>
      %add3A_839 = arith.constant 16 : i32
      %add3A_840 = arith.addi %add3A_831, %add3A_839 : i32
      %get3A_841 = arith.index_cast %add3A_840 : i32 to index
      %get3A_842 = tpu.vector_load %arg9[%get3A_841] {strides = array<i32>} : memref<18432xf32, #tpu.memory_space<vmem>>, vector<16xf32>,
      %mul3A_843 = vector.broadcast %squeeze3A_829 : f32 to vector<16xf32>
      %mul3A_844 = arith.mulf %mul3A_843, %get3A_842 : vector<16xf32>
      %add3A_845 = arith.addf %add3A_785, %mul3A_844 : vector<16xf32>
      %add3A_846 = arith.constant 32 : i32
      %add3A_847 = arith.addi %add3A_831, %add3A_846 : i32
      %get3A_848 = arith.index_cast %add3A_847 : i32 to index
      %get3A_849 = tpu.vector_load %arg9[%get3A_848] {strides = array<i32>} : memref<18432xf32, #tpu.memory_space<vmem>>, vector<16xf32>,
      %mul3A_850 = vector.broadcast %squeeze3A_829 : f32 to vector<16xf32>
      %mul3A_851 = arith.mulf %mul3A_850, %get3A_849 : vector<16xf32>
      %add3A_852 = arith.addf %add3A_792, %mul3A_851 : vector<16xf32>
      %add3A_853 = arith.constant 48 : i32
      %add3A_854 = arith.addi %add3A_831, %add3A_853 : i32
      %get3A_855 = arith.index_cast %add3A_854 : i32 to index
      %get3A_856 = tpu.vector_load %arg9[%get3A_855] {strides = array<i32>} : memref<18432xf32, #tpu.memory_space<vmem>>, vector<16xf32>,
      %mul3A_857 = vector.broadcast %squeeze3A_829 : f32 to vector<16xf32>
      %mul3A_858 = arith.mulf %mul3A_857, %get3A_856 : vector<16xf32>
      %add3A_859 = arith.addf %add3A_799, %mul3A_858 : vector<16xf32>
      %add3A_860 = arith.constant 64 : i32
      %add3A_861 = arith.addi %add3A_831, %add3A_860 : i32
      %get3A_862 = arith.index_cast %add3A_861 : i32 to index
      %get3A_863 = tpu.vector_load %arg9[%get3A_862] {strides = array<i32>} : memref<18432xf32, #tpu.memory_space<vmem>>, vector<16xf32>,
      %mul3A_864 = vector.broadcast %squeeze3A_829 : f32 to vector<16xf32>
      %mul3A_865 = arith.mulf %mul3A_864, %get3A_863 : vector<16xf32>
      %add3A_866 = arith.addf %add3A_806, %mul3A_865 : vector<16xf32>
      %add3A_867 = arith.constant 80 : i32
      %add3A_868 = arith.addi %add3A_831, %add3A_867 : i32
      %get3A_869 = arith.index_cast %add3A_868 : i32 to index
      %get3A_870 = tpu.vector_load %arg9[%get3A_869] {strides = array<i32>} : memref<18432xf32, #tpu.memory_space<vmem>>, vector<16xf32>,
      %mul3A_871 = vector.broadcast %squeeze3A_829 : f32 to vector<16xf32>
      %mul3A_872 = arith.mulf %mul3A_871, %get3A_870 : vector<16xf32>
      %add3A_873 = arith.addf %add3A_813, %mul3A_872 : vector<16xf32>
      %add3A_874 = arith.constant 96 : i32
      %add3A_875 = arith.addi %add3A_831, %add3A_874 : i32
      %get3A_876 = arith.index_cast %add3A_875 : i32 to index
      %get3A_877 = tpu.vector_load %arg9[%get3A_876] {strides = array<i32>} : memref<18432xf32, #tpu.memory_space<vmem>>, vector<16xf32>,
      %mul3A_878 = vector.broadcast %squeeze3A_829 : f32 to vector<16xf32>
      %mul3A_879 = arith.mulf %mul3A_878, %get3A_877 : vector<16xf32>
      %add3A_880 = arith.addf %add3A_820, %mul3A_879 : vector<16xf32>
      %add3A_881 = arith.constant 112 : i32
      %add3A_882 = arith.addi %add3A_831, %add3A_881 : i32
      %get3A_883 = arith.index_cast %add3A_882 : i32 to index
      %get3A_884 = tpu.vector_load %arg9[%get3A_883] {strides = array<i32>} : memref<18432xf32, #tpu.memory_space<vmem>>, vector<16xf32>,
      %mul3A_885 = vector.broadcast %squeeze3A_829 : f32 to vector<16xf32>
      %mul3A_886 = arith.mulf %mul3A_885, %get3A_884 : vector<16xf32>
      %add3A_887 = arith.addf %add3A_827, %mul3A_886 : vector<16xf32>
      %slice3A_888 = vector.extract_strided_slice %get3A_164 {offsets = [12], sizes = [1], strides = [1]} : vector<16xf32> to vector<1xf32>
      %squeeze3A_889 = vector.extract %slice3A_888[0] : f32 from vector<1xf32>
      %add3A_890 = arith.constant 1536 : i32
      %add3A_891 = arith.addi %multiple_of3A_169, %add3A_890 : i32
      %add3A_892 = arith.constant 0 : i32
      %add3A_893 = arith.addi %add3A_891, %add3A_892 : i32
      %get3A_894 = arith.index_cast %add3A_893 : i32 to index
      %get3A_895 = tpu.vector_load %arg9[%get3A_894] {strides = array<i32>} : memref<18432xf32, #tpu.memory_space<vmem>>, vector<16xf32>,
      %mul3A_896 = vector.broadcast %squeeze3A_889 : f32 to vector<16xf32>
      %mul3A_897 = arith.mulf %mul3A_896, %get3A_895 : vector<16xf32>
      %add3A_898 = arith.addf %add3A_838, %mul3A_897 : vector<16xf32>
      %add3A_899 = arith.constant 16 : i32
      %add3A_900 = arith.addi %add3A_891, %add3A_899 : i32
      %get3A_901 = arith.index_cast %add3A_900 : i32 to index
      %get3A_902 = tpu.vector_load %arg9[%get3A_901] {strides = array<i32>} : memref<18432xf32, #tpu.memory_space<vmem>>, vector<16xf32>,
      %mul3A_903 = vector.broadcast %squeeze3A_889 : f32 to vector<16xf32>
      %mul3A_904 = arith.mulf %mul3A_903, %get3A_902 : vector<16xf32>
      %add3A_905 = arith.addf %add3A_845, %mul3A_904 : vector<16xf32>
      %add3A_906 = arith.constant 32 : i32
      %add3A_907 = arith.addi %add3A_891, %add3A_906 : i32
      %get3A_908 = arith.index_cast %add3A_907 : i32 to index
      %get3A_909 = tpu.vector_load %arg9[%get3A_908] {strides = array<i32>} : memref<18432xf32, #tpu.memory_space<vmem>>, vector<16xf32>,
      %mul3A_910 = vector.broadcast %squeeze3A_889 : f32 to vector<16xf32>
      %mul3A_911 = arith.mulf %mul3A_910, %get3A_909 : vector<16xf32>
      %add3A_912 = arith.addf %add3A_852, %mul3A_911 : vector<16xf32>
      %add3A_913 = arith.constant 48 : i32
      %add3A_914 = arith.addi %add3A_891, %add3A_913 : i32
      %get3A_915 = arith.index_cast %add3A_914 : i32 to index
      %get3A_916 = tpu.vector_load %arg9[%get3A_915] {strides = array<i32>} : memref<18432xf32, #tpu.memory_space<vmem>>, vector<16xf32>,
      %mul3A_917 = vector.broadcast %squeeze3A_889 : f32 to vector<16xf32>
      %mul3A_918 = arith.mulf %mul3A_917, %get3A_916 : vector<16xf32>
      %add3A_919 = arith.addf %add3A_859, %mul3A_918 : vector<16xf32>
      %add3A_920 = arith.constant 64 : i32
      %add3A_921 = arith.addi %add3A_891, %add3A_920 : i32
      %get3A_922 = arith.index_cast %add3A_921 : i32 to index
      %get3A_923 = tpu.vector_load %arg9[%get3A_922] {strides = array<i32>} : memref<18432xf32, #tpu.memory_space<vmem>>, vector<16xf32>,
      %mul3A_924 = vector.broadcast %squeeze3A_889 : f32 to vector<16xf32>
      %mul3A_925 = arith.mulf %mul3A_924, %get3A_923 : vector<16xf32>
      %add3A_926 = arith.addf %add3A_866, %mul3A_925 : vector<16xf32>
      %add3A_927 = arith.constant 80 : i32
      %add3A_928 = arith.addi %add3A_891, %add3A_927 : i32
      %get3A_929 = arith.index_cast %add3A_928 : i32 to index
      %get3A_930 = tpu.vector_load %arg9[%get3A_929] {strides = array<i32>} : memref<18432xf32, #tpu.memory_space<vmem>>, vector<16xf32>,
      %mul3A_931 = vector.broadcast %squeeze3A_889 : f32 to vector<16xf32>
      %mul3A_932 = arith.mulf %mul3A_931, %get3A_930 : vector<16xf32>
      %add3A_933 = arith.addf %add3A_873, %mul3A_932 : vector<16xf32>
      %add3A_934 = arith.constant 96 : i32
      %add3A_935 = arith.addi %add3A_891, %add3A_934 : i32
      %get3A_936 = arith.index_cast %add3A_935 : i32 to index
      %get3A_937 = tpu.vector_load %arg9[%get3A_936] {strides = array<i32>} : memref<18432xf32, #tpu.memory_space<vmem>>, vector<16xf32>,
      %mul3A_938 = vector.broadcast %squeeze3A_889 : f32 to vector<16xf32>
      %mul3A_939 = arith.mulf %mul3A_938, %get3A_937 : vector<16xf32>
      %add3A_940 = arith.addf %add3A_880, %mul3A_939 : vector<16xf32>
      %add3A_941 = arith.constant 112 : i32
      %add3A_942 = arith.addi %add3A_891, %add3A_941 : i32
      %get3A_943 = arith.index_cast %add3A_942 : i32 to index
      %get3A_944 = tpu.vector_load %arg9[%get3A_943] {strides = array<i32>} : memref<18432xf32, #tpu.memory_space<vmem>>, vector<16xf32>,
      %mul3A_945 = vector.broadcast %squeeze3A_889 : f32 to vector<16xf32>
      %mul3A_946 = arith.mulf %mul3A_945, %get3A_944 : vector<16xf32>
      %add3A_947 = arith.addf %add3A_887, %mul3A_946 : vector<16xf32>
      %slice3A_948 = vector.extract_strided_slice %get3A_164 {offsets = [13], sizes = [1], strides = [1]} : vector<16xf32> to vector<1xf32>
      %squeeze3A_949 = vector.extract %slice3A_948[0] : f32 from vector<1xf32>
      %add3A_950 = arith.constant 1664 : i32
      %add3A_951 = arith.addi %multiple_of3A_169, %add3A_950 : i32
      %add3A_952 = arith.constant 0 : i32
      %add3A_953 = arith.addi %add3A_951, %add3A_952 : i32
      %get3A_954 = arith.index_cast %add3A_953 : i32 to index
      %get3A_955 = tpu.vector_load %arg9[%get3A_954] {strides = array<i32>} : memref<18432xf32, #tpu.memory_space<vmem>>, vector<16xf32>,
      %mul3A_956 = vector.broadcast %squeeze3A_949 : f32 to vector<16xf32>
      %mul3A_957 = arith.mulf %mul3A_956, %get3A_955 : vector<16xf32>
      %add3A_958 = arith.addf %add3A_898, %mul3A_957 : vector<16xf32>
      %add3A_959 = arith.constant 16 : i32
      %add3A_960 = arith.addi %add3A_951, %add3A_959 : i32
      %get3A_961 = arith.index_cast %add3A_960 : i32 to index
      %get3A_962 = tpu.vector_load %arg9[%get3A_961] {strides = array<i32>} : memref<18432xf32, #tpu.memory_space<vmem>>, vector<16xf32>,
      %mul3A_963 = vector.broadcast %squeeze3A_949 : f32 to vector<16xf32>
      %mul3A_964 = arith.mulf %mul3A_963, %get3A_962 : vector<16xf32>
      %add3A_965 = arith.addf %add3A_905, %mul3A_964 : vector<16xf32>
      %add3A_966 = arith.constant 32 : i32
      %add3A_967 = arith.addi %add3A_951, %add3A_966 : i32
      %get3A_968 = arith.index_cast %add3A_967 : i32 to index
      %get3A_969 = tpu.vector_load %arg9[%get3A_968] {strides = array<i32>} : memref<18432xf32, #tpu.memory_space<vmem>>, vector<16xf32>,
      %mul3A_970 = vector.broadcast %squeeze3A_949 : f32 to vector<16xf32>
      %mul3A_971 = arith.mulf %mul3A_970, %get3A_969 : vector<16xf32>
      %add3A_972 = arith.addf %add3A_912, %mul3A_971 : vector<16xf32>
      %add3A_973 = arith.constant 48 : i32
      %add3A_974 = arith.addi %add3A_951, %add3A_973 : i32
      %get3A_975 = arith.index_cast %add3A_974 : i32 to index
      %get3A_976 = tpu.vector_load %arg9[%get3A_975] {strides = array<i32>} : memref<18432xf32, #tpu.memory_space<vmem>>, vector<16xf32>,
      %mul3A_977 = vector.broadcast %squeeze3A_949 : f32 to vector<16xf32>
      %mul3A_978 = arith.mulf %mul3A_977, %get3A_976 : vector<16xf32>
      %add3A_979 = arith.addf %add3A_919, %mul3A_978 : vector<16xf32>
      %add3A_980 = arith.constant 64 : i32
      %add3A_981 = arith.addi %add3A_951, %add3A_980 : i32
      %get3A_982 = arith.index_cast %add3A_981 : i32 to index
      %get3A_983 = tpu.vector_load %arg9[%get3A_982] {strides = array<i32>} : memref<18432xf32, #tpu.memory_space<vmem>>, vector<16xf32>,
      %mul3A_984 = vector.broadcast %squeeze3A_949 : f32 to vector<16xf32>
      %mul3A_985 = arith.mulf %mul3A_984, %get3A_983 : vector<16xf32>
      %add3A_986 = arith.addf %add3A_926, %mul3A_985 : vector<16xf32>
      %add3A_987 = arith.constant 80 : i32
      %add3A_988 = arith.addi %add3A_951, %add3A_987 : i32
      %get3A_989 = arith.index_cast %add3A_988 : i32 to index
      %get3A_990 = tpu.vector_load %arg9[%get3A_989] {strides = array<i32>} : memref<18432xf32, #tpu.memory_space<vmem>>, vector<16xf32>,
      %mul3A_991 = vector.broadcast %squeeze3A_949 : f32 to vector<16xf32>
      %mul3A_992 = arith.mulf %mul3A_991, %get3A_990 : vector<16xf32>
      %add3A_993 = arith.addf %add3A_933, %mul3A_992 : vector<16xf32>
      %add3A_994 = arith.constant 96 : i32
      %add3A_995 = arith.addi %add3A_951, %add3A_994 : i32
      %get3A_996 = arith.index_cast %add3A_995 : i32 to index
      %get3A_997 = tpu.vector_load %arg9[%get3A_996] {strides = array<i32>} : memref<18432xf32, #tpu.memory_space<vmem>>, vector<16xf32>,
      %mul3A_998 = vector.broadcast %squeeze3A_949 : f32 to vector<16xf32>
      %mul3A_999 = arith.mulf %mul3A_998, %get3A_997 : vector<16xf32>
      %add3A_1000 = arith.addf %add3A_940, %mul3A_999 : vector<16xf32>
      %add3A_1001 = arith.constant 112 : i32
      %add3A_1002 = arith.addi %add3A_951, %add3A_1001 : i32
      %get3A_1003 = arith.index_cast %add3A_1002 : i32 to index
      %get3A_1004 = tpu.vector_load %arg9[%get3A_1003] {strides = array<i32>} : memref<18432xf32, #tpu.memory_space<vmem>>, vector<16xf32>,
      %mul3A_1005 = vector.broadcast %squeeze3A_949 : f32 to vector<16xf32>
      %mul3A_1006 = arith.mulf %mul3A_1005, %get3A_1004 : vector<16xf32>
      %add3A_1007 = arith.addf %add3A_947, %mul3A_1006 : vector<16xf32>
      %slice3A_1008 = vector.extract_strided_slice %get3A_164 {offsets = [14], sizes = [1], strides = [1]} : vector<16xf32> to vector<1xf32>
      %squeeze3A_1009 = vector.extract %slice3A_1008[0] : f32 from vector<1xf32>
      %add3A_1010 = arith.constant 1792 : i32
      %add3A_1011 = arith.addi %multiple_of3A_169, %add3A_1010 : i32
      %add3A_1012 = arith.constant 0 : i32
      %add3A_1013 = arith.addi %add3A_1011, %add3A_1012 : i32
      %get3A_1014 = arith.index_cast %add3A_1013 : i32 to index
      %get3A_1015 = tpu.vector_load %arg9[%get3A_1014] {strides = array<i32>} : memref<18432xf32, #tpu.memory_space<vmem>>, vector<16xf32>,
      %mul3A_1016 = vector.broadcast %squeeze3A_1009 : f32 to vector<16xf32>
      %mul3A_1017 = arith.mulf %mul3A_1016, %get3A_1015 : vector<16xf32>
      %add3A_1018 = arith.addf %add3A_958, %mul3A_1017 : vector<16xf32>
      %add3A_1019 = arith.constant 16 : i32
      %add3A_1020 = arith.addi %add3A_1011, %add3A_1019 : i32
      %get3A_1021 = arith.index_cast %add3A_1020 : i32 to index
      %get3A_1022 = tpu.vector_load %arg9[%get3A_1021] {strides = array<i32>} : memref<18432xf32, #tpu.memory_space<vmem>>, vector<16xf32>,
      %mul3A_1023 = vector.broadcast %squeeze3A_1009 : f32 to vector<16xf32>
      %mul3A_1024 = arith.mulf %mul3A_1023, %get3A_1022 : vector<16xf32>
      %add3A_1025 = arith.addf %add3A_965, %mul3A_1024 : vector<16xf32>
      %add3A_1026 = arith.constant 32 : i32
      %add3A_1027 = arith.addi %add3A_1011, %add3A_1026 : i32
      %get3A_1028 = arith.index_cast %add3A_1027 : i32 to index
      %get3A_1029 = tpu.vector_load %arg9[%get3A_1028] {strides = array<i32>} : memref<18432xf32, #tpu.memory_space<vmem>>, vector<16xf32>,
      %mul3A_1030 = vector.broadcast %squeeze3A_1009 : f32 to vector<16xf32>
      %mul3A_1031 = arith.mulf %mul3A_1030, %get3A_1029 : vector<16xf32>
      %add3A_1032 = arith.addf %add3A_972, %mul3A_1031 : vector<16xf32>
      %add3A_1033 = arith.constant 48 : i32
      %add3A_1034 = arith.addi %add3A_1011, %add3A_1033 : i32
      %get3A_1035 = arith.index_cast %add3A_1034 : i32 to index
      %get3A_1036 = tpu.vector_load %arg9[%get3A_1035] {strides = array<i32>} : memref<18432xf32, #tpu.memory_space<vmem>>, vector<16xf32>,
      %mul3A_1037 = vector.broadcast %squeeze3A_1009 : f32 to vector<16xf32>
      %mul3A_1038 = arith.mulf %mul3A_1037, %get3A_1036 : vector<16xf32>
      %add3A_1039 = arith.addf %add3A_979, %mul3A_1038 : vector<16xf32>
      %add3A_1040 = arith.constant 64 : i32
      %add3A_1041 = arith.addi %add3A_1011, %add3A_1040 : i32
      %get3A_1042 = arith.index_cast %add3A_1041 : i32 to index
      %get3A_1043 = tpu.vector_load %arg9[%get3A_1042] {strides = array<i32>} : memref<18432xf32, #tpu.memory_space<vmem>>, vector<16xf32>,
      %mul3A_1044 = vector.broadcast %squeeze3A_1009 : f32 to vector<16xf32>
      %mul3A_1045 = arith.mulf %mul3A_1044, %get3A_1043 : vector<16xf32>
      %add3A_1046 = arith.addf %add3A_986, %mul3A_1045 : vector<16xf32>
      %add3A_1047 = arith.constant 80 : i32
      %add3A_1048 = arith.addi %add3A_1011, %add3A_1047 : i32
      %get3A_1049 = arith.index_cast %add3A_1048 : i32 to index
      %get3A_1050 = tpu.vector_load %arg9[%get3A_1049] {strides = array<i32>} : memref<18432xf32, #tpu.memory_space<vmem>>, vector<16xf32>,
      %mul3A_1051 = vector.broadcast %squeeze3A_1009 : f32 to vector<16xf32>
      %mul3A_1052 = arith.mulf %mul3A_1051, %get3A_1050 : vector<16xf32>
      %add3A_1053 = arith.addf %add3A_993, %mul3A_1052 : vector<16xf32>
      %add3A_1054 = arith.constant 96 : i32
      %add3A_1055 = arith.addi %add3A_1011, %add3A_1054 : i32
      %get3A_1056 = arith.index_cast %add3A_1055 : i32 to index
      %get3A_1057 = tpu.vector_load %arg9[%get3A_1056] {strides = array<i32>} : memref<18432xf32, #tpu.memory_space<vmem>>, vector<16xf32>,
      %mul3A_1058 = vector.broadcast %squeeze3A_1009 : f32 to vector<16xf32>
      %mul3A_1059 = arith.mulf %mul3A_1058, %get3A_1057 : vector<16xf32>
      %add3A_1060 = arith.addf %add3A_1000, %mul3A_1059 : vector<16xf32>
      %add3A_1061 = arith.constant 112 : i32
      %add3A_1062 = arith.addi %add3A_1011, %add3A_1061 : i32
      %get3A_1063 = arith.index_cast %add3A_1062 : i32 to index
      %get3A_1064 = tpu.vector_load %arg9[%get3A_1063] {strides = array<i32>} : memref<18432xf32, #tpu.memory_space<vmem>>, vector<16xf32>,
      %mul3A_1065 = vector.broadcast %squeeze3A_1009 : f32 to vector<16xf32>
      %mul3A_1066 = arith.mulf %mul3A_1065, %get3A_1064 : vector<16xf32>
      %add3A_1067 = arith.addf %add3A_1007, %mul3A_1066 : vector<16xf32>
      %slice3A_1068 = vector.extract_strided_slice %get3A_164 {offsets = [15], sizes = [1], strides = [1]} : vector<16xf32> to vector<1xf32>
      %squeeze3A_1069 = vector.extract %slice3A_1068[0] : f32 from vector<1xf32>
      %add3A_1070 = arith.constant 1920 : i32
      %add3A_1071 = arith.addi %multiple_of3A_169, %add3A_1070 : i32
      %add3A_1072 = arith.constant 0 : i32
      %add3A_1073 = arith.addi %add3A_1071, %add3A_1072 : i32
      %get3A_1074 = arith.index_cast %add3A_1073 : i32 to index
      %get3A_1075 = tpu.vector_load %arg9[%get3A_1074] {strides = array<i32>} : memref<18432xf32, #tpu.memory_space<vmem>>, vector<16xf32>,
      %mul3A_1076 = vector.broadcast %squeeze3A_1069 : f32 to vector<16xf32>
      %mul3A_1077 = arith.mulf %mul3A_1076, %get3A_1075 : vector<16xf32>
      %add3A_1078 = arith.addf %add3A_1018, %mul3A_1077 : vector<16xf32>
      %add3A_1079 = arith.constant 16 : i32
      %add3A_1080 = arith.addi %add3A_1071, %add3A_1079 : i32
      %get3A_1081 = arith.index_cast %add3A_1080 : i32 to index
      %get3A_1082 = tpu.vector_load %arg9[%get3A_1081] {strides = array<i32>} : memref<18432xf32, #tpu.memory_space<vmem>>, vector<16xf32>,
      %mul3A_1083 = vector.broadcast %squeeze3A_1069 : f32 to vector<16xf32>
      %mul3A_1084 = arith.mulf %mul3A_1083, %get3A_1082 : vector<16xf32>
      %add3A_1085 = arith.addf %add3A_1025, %mul3A_1084 : vector<16xf32>
      %add3A_1086 = arith.constant 32 : i32
      %add3A_1087 = arith.addi %add3A_1071, %add3A_1086 : i32
      %get3A_1088 = arith.index_cast %add3A_1087 : i32 to index
      %get3A_1089 = tpu.vector_load %arg9[%get3A_1088] {strides = array<i32>} : memref<18432xf32, #tpu.memory_space<vmem>>, vector<16xf32>,
      %mul3A_1090 = vector.broadcast %squeeze3A_1069 : f32 to vector<16xf32>
      %mul3A_1091 = arith.mulf %mul3A_1090, %get3A_1089 : vector<16xf32>
      %add3A_1092 = arith.addf %add3A_1032, %mul3A_1091 : vector<16xf32>
      %add3A_1093 = arith.constant 48 : i32
      %add3A_1094 = arith.addi %add3A_1071, %add3A_1093 : i32
      %get3A_1095 = arith.index_cast %add3A_1094 : i32 to index
      %get3A_1096 = tpu.vector_load %arg9[%get3A_1095] {strides = array<i32>} : memref<18432xf32, #tpu.memory_space<vmem>>, vector<16xf32>,
      %mul3A_1097 = vector.broadcast %squeeze3A_1069 : f32 to vector<16xf32>
      %mul3A_1098 = arith.mulf %mul3A_1097, %get3A_1096 : vector<16xf32>
      %add3A_1099 = arith.addf %add3A_1039, %mul3A_1098 : vector<16xf32>
      %add3A_1100 = arith.constant 64 : i32
      %add3A_1101 = arith.addi %add3A_1071, %add3A_1100 : i32
      %get3A_1102 = arith.index_cast %add3A_1101 : i32 to index
      %get3A_1103 = tpu.vector_load %arg9[%get3A_1102] {strides = array<i32>} : memref<18432xf32, #tpu.memory_space<vmem>>, vector<16xf32>,
      %mul3A_1104 = vector.broadcast %squeeze3A_1069 : f32 to vector<16xf32>
      %mul3A_1105 = arith.mulf %mul3A_1104, %get3A_1103 : vector<16xf32>
      %add3A_1106 = arith.addf %add3A_1046, %mul3A_1105 : vector<16xf32>
      %add3A_1107 = arith.constant 80 : i32
      %add3A_1108 = arith.addi %add3A_1071, %add3A_1107 : i32
      %get3A_1109 = arith.index_cast %add3A_1108 : i32 to index
      %get3A_1110 = tpu.vector_load %arg9[%get3A_1109] {strides = array<i32>} : memref<18432xf32, #tpu.memory_space<vmem>>, vector<16xf32>,
      %mul3A_1111 = vector.broadcast %squeeze3A_1069 : f32 to vector<16xf32>
      %mul3A_1112 = arith.mulf %mul3A_1111, %get3A_1110 : vector<16xf32>
      %add3A_1113 = arith.addf %add3A_1053, %mul3A_1112 : vector<16xf32>
      %add3A_1114 = arith.constant 96 : i32
      %add3A_1115 = arith.addi %add3A_1071, %add3A_1114 : i32
      %get3A_1116 = arith.index_cast %add3A_1115 : i32 to index
      %get3A_1117 = tpu.vector_load %arg9[%get3A_1116] {strides = array<i32>} : memref<18432xf32, #tpu.memory_space<vmem>>, vector<16xf32>,
      %mul3A_1118 = vector.broadcast %squeeze3A_1069 : f32 to vector<16xf32>
      %mul3A_1119 = arith.mulf %mul3A_1118, %get3A_1117 : vector<16xf32>
      %add3A_1120 = arith.addf %add3A_1060, %mul3A_1119 : vector<16xf32>
      %add3A_1121 = arith.constant 112 : i32
      %add3A_1122 = arith.addi %add3A_1071, %add3A_1121 : i32
      %get3A_1123 = arith.index_cast %add3A_1122 : i32 to index
      %get3A_1124 = tpu.vector_load %arg9[%get3A_1123] {strides = array<i32>} : memref<18432xf32, #tpu.memory_space<vmem>>, vector<16xf32>,
      %mul3A_1125 = vector.broadcast %squeeze3A_1069 : f32 to vector<16xf32>
      %mul3A_1126 = arith.mulf %mul3A_1125, %get3A_1124 : vector<16xf32>
      %add3A_1127 = arith.addf %add3A_1067, %mul3A_1126 : vector<16xf32>
      scf.yield %add3A_1078, %add3A_1085, %add3A_1092, %add3A_1099, %add3A_1106, %add3A_1113, %add3A_1120, %add3A_1127 : vector<16xf32>, vector<16xf32>, vector<16xf32>, vector<16xf32>, vector<16xf32>, vector<16xf32>, vector<16xf32>, vector<16xf32>
    }
    %scan3A_35 = arith.constant 9 : i32
    %get3A = arith.constant 0 : index
    %get3A_36 = tpu.vector_load %arg11[%get3A] {strides = array<i32>} : memref<16xf32, #tpu.memory_space<vmem>>, vector<16xf32>,
    %add3A_37 = arith.addf %scan3A_34#0, %get3A_36 : vector<16xf32>
    %neg3A = arith.constant 0.000000e+00 : f32
    %neg3A_38 = vector.broadcast %neg3A : f32 to vector<16xf32>
    %neg3A_39 = arith.subf %neg3A_38, %add3A_37 : vector<16xf32>
    %exp3A = math.exp %neg3A_39 : vector<16xf32>
    %add3A_40 = arith.constant 1.000000e+00 : f32
    %add3A_41 = vector.broadcast %add3A_40 : f32 to vector<16xf32>
    %add3A_42 = arith.addf %add3A_41, %exp3A : vector<16xf32>
    %div3A = arith.constant 1.000000e+00 : f32
    %div3A_43 = vector.broadcast %div3A : f32 to vector<16xf32>
    %div3A_44 = arith.divf %div3A_43, %add3A_42 : vector<16xf32>
    %swap3A = arith.constant 0 : index
    %swap3A_45 = tpu.vector_load %arg12[%swap3A] {strides = array<i32>} : memref<128xf32, #tpu.memory_space<vmem>>, vector<16xf32>,
    tpu.vector_store %arg12[%swap3A], %div3A_44 {strides = array<i32>} : memref<128xf32, #tpu.memory_space<vmem>>, vector<16xf32>,
    %get3A_46 = arith.constant 0 : index
    %get3A_47 = tpu.vector_load %arg11[%get3A_46] {strides = array<i32>} : memref<16xf32, #tpu.memory_space<vmem>>, vector<16xf32>,
    %add3A_48 = arith.addf %scan3A_34#1, %get3A_47 : vector<16xf32>
    %neg3A_49 = arith.constant 0.000000e+00 : f32
    %neg3A_50 = vector.broadcast %neg3A_49 : f32 to vector<16xf32>
    %neg3A_51 = arith.subf %neg3A_50, %add3A_48 : vector<16xf32>
    %exp3A_52 = math.exp %neg3A_51 : vector<16xf32>
    %add3A_53 = arith.constant 1.000000e+00 : f32
    %add3A_54 = vector.broadcast %add3A_53 : f32 to vector<16xf32>
    %add3A_55 = arith.addf %add3A_54, %exp3A_52 : vector<16xf32>
    %div3A_56 = arith.constant 1.000000e+00 : f32
    %div3A_57 = vector.broadcast %div3A_56 : f32 to vector<16xf32>
    %div3A_58 = arith.divf %div3A_57, %add3A_55 : vector<16xf32>
    %swap3A_59 = arith.constant 16 : index
    %swap3A_60 = tpu.vector_load %arg12[%swap3A_59] {strides = array<i32>} : memref<128xf32, #tpu.memory_space<vmem>>, vector<16xf32>,
    tpu.vector_store %arg12[%swap3A_59], %div3A_58 {strides = array<i32>} : memref<128xf32, #tpu.memory_space<vmem>>, vector<16xf32>,
    %get3A_61 = arith.constant 0 : index
    %get3A_62 = tpu.vector_load %arg11[%get3A_61] {strides = array<i32>} : memref<16xf32, #tpu.memory_space<vmem>>, vector<16xf32>,
    %add3A_63 = arith.addf %scan3A_34#2, %get3A_62 : vector<16xf32>
    %neg3A_64 = arith.constant 0.000000e+00 : f32
    %neg3A_65 = vector.broadcast %neg3A_64 : f32 to vector<16xf32>
    %neg3A_66 = arith.subf %neg3A_65, %add3A_63 : vector<16xf32>
    %exp3A_67 = math.exp %neg3A_66 : vector<16xf32>
    %add3A_68 = arith.constant 1.000000e+00 : f32
    %add3A_69 = vector.broadcast %add3A_68 : f32 to vector<16xf32>
    %add3A_70 = arith.addf %add3A_69, %exp3A_67 : vector<16xf32>
    %div3A_71 = arith.constant 1.000000e+00 : f32
    %div3A_72 = vector.broadcast %div3A_71 : f32 to vector<16xf32>
    %div3A_73 = arith.divf %div3A_72, %add3A_70 : vector<16xf32>
    %swap3A_74 = arith.constant 32 : index
    %swap3A_75 = tpu.vector_load %arg12[%swap3A_74] {strides = array<i32>} : memref<128xf32, #tpu.memory_space<vmem>>, vector<16xf32>,
    tpu.vector_store %arg12[%swap3A_74], %div3A_73 {strides = array<i32>} : memref<128xf32, #tpu.memory_space<vmem>>, vector<16xf32>,
    %get3A_76 = arith.constant 0 : index
    %get3A_77 = tpu.vector_load %arg11[%get3A_76] {strides = array<i32>} : memref<16xf32, #tpu.memory_space<vmem>>, vector<16xf32>,
    %add3A_78 = arith.addf %scan3A_34#3, %get3A_77 : vector<16xf32>
    %neg3A_79 = arith.constant 0.000000e+00 : f32
    %neg3A_80 = vector.broadcast %neg3A_79 : f32 to vector<16xf32>
    %neg3A_81 = arith.subf %neg3A_80, %add3A_78 : vector<16xf32>
    %exp3A_82 = math.exp %neg3A_81 : vector<16xf32>
    %add3A_83 = arith.constant 1.000000e+00 : f32
    %add3A_84 = vector.broadcast %add3A_83 : f32 to vector<16xf32>
    %add3A_85 = arith.addf %add3A_84, %exp3A_82 : vector<16xf32>
    %div3A_86 = arith.constant 1.000000e+00 : f32
    %div3A_87 = vector.broadcast %div3A_86 : f32 to vector<16xf32>
    %div3A_88 = arith.divf %div3A_87, %add3A_85 : vector<16xf32>
    %swap3A_89 = arith.constant 48 : index
    %swap3A_90 = tpu.vector_load %arg12[%swap3A_89] {strides = array<i32>} : memref<128xf32, #tpu.memory_space<vmem>>, vector<16xf32>,
    tpu.vector_store %arg12[%swap3A_89], %div3A_88 {strides = array<i32>} : memref<128xf32, #tpu.memory_space<vmem>>, vector<16xf32>,
    %get3A_91 = arith.constant 0 : index
    %get3A_92 = tpu.vector_load %arg11[%get3A_91] {strides = array<i32>} : memref<16xf32, #tpu.memory_space<vmem>>, vector<16xf32>,
    %add3A_93 = arith.addf %scan3A_34#4, %get3A_92 : vector<16xf32>
    %neg3A_94 = arith.constant 0.000000e+00 : f32
    %neg3A_95 = vector.broadcast %neg3A_94 : f32 to vector<16xf32>
    %neg3A_96 = arith.subf %neg3A_95, %add3A_93 : vector<16xf32>
    %exp3A_97 = math.exp %neg3A_96 : vector<16xf32>
    %add3A_98 = arith.constant 1.000000e+00 : f32
    %add3A_99 = vector.broadcast %add3A_98 : f32 to vector<16xf32>
    %add3A_100 = arith.addf %add3A_99, %exp3A_97 : vector<16xf32>
    %div3A_101 = arith.constant 1.000000e+00 : f32
    %div3A_102 = vector.broadcast %div3A_101 : f32 to vector<16xf32>
    %div3A_103 = arith.divf %div3A_102, %add3A_100 : vector<16xf32>
    %swap3A_104 = arith.constant 64 : index
    %swap3A_105 = tpu.vector_load %arg12[%swap3A_104] {strides = array<i32>} : memref<128xf32, #tpu.memory_space<vmem>>, vector<16xf32>,
    tpu.vector_store %arg12[%swap3A_104], %div3A_103 {strides = array<i32>} : memref<128xf32, #tpu.memory_space<vmem>>, vector<16xf32>,
    %get3A_106 = arith.constant 0 : index
    %get3A_107 = tpu.vector_load %arg11[%get3A_106] {strides = array<i32>} : memref<16xf32, #tpu.memory_space<vmem>>, vector<16xf32>,
    %add3A_108 = arith.addf %scan3A_34#5, %get3A_107 : vector<16xf32>
    %neg3A_109 = arith.constant 0.000000e+00 : f32
    %neg3A_110 = vector.broadcast %neg3A_109 : f32 to vector<16xf32>
    %neg3A_111 = arith.subf %neg3A_110, %add3A_108 : vector<16xf32>
    %exp3A_112 = math.exp %neg3A_111 : vector<16xf32>
    %add3A_113 = arith.constant 1.000000e+00 : f32
    %add3A_114 = vector.broadcast %add3A_113 : f32 to vector<16xf32>
    %add3A_115 = arith.addf %add3A_114, %exp3A_112 : vector<16xf32>
    %div3A_116 = arith.constant 1.000000e+00 : f32
    %div3A_117 = vector.broadcast %div3A_116 : f32 to vector<16xf32>
    %div3A_118 = arith.divf %div3A_117, %add3A_115 : vector<16xf32>
    %swap3A_119 = arith.constant 80 : index
    %swap3A_120 = tpu.vector_load %arg12[%swap3A_119] {strides = array<i32>} : memref<128xf32, #tpu.memory_space<vmem>>, vector<16xf32>,
    tpu.vector_store %arg12[%swap3A_119], %div3A_118 {strides = array<i32>} : memref<128xf32, #tpu.memory_space<vmem>>, vector<16xf32>,
    %get3A_121 = arith.constant 0 : index
    %get3A_122 = tpu.vector_load %arg11[%get3A_121] {strides = array<i32>} : memref<16xf32, #tpu.memory_space<vmem>>, vector<16xf32>,
    %add3A_123 = arith.addf %scan3A_34#6, %get3A_122 : vector<16xf32>
    %neg3A_124 = arith.constant 0.000000e+00 : f32
    %neg3A_125 = vector.broadcast %neg3A_124 : f32 to vector<16xf32>
    %neg3A_126 = arith.subf %neg3A_125, %add3A_123 : vector<16xf32>
    %exp3A_127 = math.exp %neg3A_126 : vector<16xf32>
    %add3A_128 = arith.constant 1.000000e+00 : f32
    %add3A_129 = vector.broadcast %add3A_128 : f32 to vector<16xf32>
    %add3A_130 = arith.addf %add3A_129, %exp3A_127 : vector<16xf32>
    %div3A_131 = arith.constant 1.000000e+00 : f32
    %div3A_132 = vector.broadcast %div3A_131 : f32 to vector<16xf32>
    %div3A_133 = arith.divf %div3A_132, %add3A_130 : vector<16xf32>
    %swap3A_134 = arith.constant 96 : index
    %swap3A_135 = tpu.vector_load %arg12[%swap3A_134] {strides = array<i32>} : memref<128xf32, #tpu.memory_space<vmem>>, vector<16xf32>,
    tpu.vector_store %arg12[%swap3A_134], %div3A_133 {strides = array<i32>} : memref<128xf32, #tpu.memory_space<vmem>>, vector<16xf32>,
    %get3A_136 = arith.constant 0 : index
    %get3A_137 = tpu.vector_load %arg11[%get3A_136] {strides = array<i32>} : memref<16xf32, #tpu.memory_space<vmem>>, vector<16xf32>,
    %add3A_138 = arith.addf %scan3A_34#7, %get3A_137 : vector<16xf32>
    %neg3A_139 = arith.constant 0.000000e+00 : f32
    %neg3A_140 = vector.broadcast %neg3A_139 : f32 to vector<16xf32>
    %neg3A_141 = arith.subf %neg3A_140, %add3A_138 : vector<16xf32>
    %exp3A_142 = math.exp %neg3A_141 : vector<16xf32>
    %add3A_143 = arith.constant 1.000000e+00 : f32
    %add3A_144 = vector.broadcast %add3A_143 : f32 to vector<16xf32>
    %add3A_145 = arith.addf %add3A_144, %exp3A_142 : vector<16xf32>
    %div3A_146 = arith.constant 1.000000e+00 : f32
    %div3A_147 = vector.broadcast %div3A_146 : f32 to vector<16xf32>
    %div3A_148 = arith.divf %div3A_147, %add3A_145 : vector<16xf32>
    %swap3A_149 = arith.constant 112 : index
    %swap3A_150 = tpu.vector_load %arg12[%swap3A_149] {strides = array<i32>} : memref<128xf32, #tpu.memory_space<vmem>>, vector<16xf32>,
    tpu.vector_store %arg12[%swap3A_149], %div3A_148 {strides = array<i32>} : memref<128xf32, #tpu.memory_space<vmem>>, vector<16xf32>,
    "tpu.region"() ({
      %run_scoped3A = tpu.sem_alloc : memref<!tpu.dma_semaphore, #tpu.memory_space<semaphore_mem>>
      %dma_start3A_151 = tpu.memref_slice %arg6[%multiple_of3A] : memref<4096xf32, #tpu.memory_space<hbm>> -> memref<128xf32, #tpu.memory_space<hbm>>
      %dma_start3A_152 = tpu.memref_slice %arg6[%multiple_of3A] : memref<4096xf32, #tpu.memory_space<hbm>> -> memref<128xf32, #tpu.memory_space<hbm>>
      tpu.enqueue_dma source(%arg12 : memref<128xf32, #tpu.memory_space<vmem>>) target(%dma_start3A_152 : memref<128xf32, #tpu.memory_space<hbm>>) target_semaphore(%run_scoped3A : memref<!tpu.dma_semaphore, #tpu.memory_space<semaphore_mem>>)
      %dma_wait3A_153 = tpu.memref_slice %arg6[%multiple_of3A] : memref<4096xf32, #tpu.memory_space<hbm>> -> memref<128xf32, #tpu.memory_space<hbm>>
      %dma_wait3A_154 = tpu.memref_slice %arg6[%multiple_of3A] : memref<4096xf32, #tpu.memory_space<hbm>> -> memref<128xf32, #tpu.memory_space<hbm>>
      tpu.wait_dma2 semaphore(%run_scoped3A : memref<!tpu.dma_semaphore, #tpu.memory_space<semaphore_mem>>) src(%arg12 : memref<128xf32, #tpu.memory_space<vmem>>) dst(%dma_wait3A_154 : memref<128xf32, #tpu.memory_space<hbm>>)
      tpu.yield
    }) : () -> ()
    return
  }
}

module attributes {stable_mosaic.version = 14 : i64} {
  func.func @_proj_body(%arg0: i32, %arg1: memref<16384x64xf32, #tpu.memory_space<vmem>>, %arg2: memref<50x64xf32, #tpu.memory_space<vmem>>, %arg3: memref<50x1xf32, #tpu.memory_space<vmem>>, %arg4: memref<50x1xf32, #tpu.memory_space<vmem>>, %arg5: memref<1x1xf32, #tpu.memory_space<vmem>>, %arg6: memref<16384x128xf32, #tpu.memory_space<vmem>>, %arg7: memref<128x16384xf32, #tpu.memory_space<vmem>>, %arg8: memref<128x128xf32, #tpu.memory_space<vmem>>) attributes {dimension_semantics = [#tpu.dimension_semantics<arbitrary>], iteration_bounds = array<i64: 62>, scalar_prefetch = 0 : i64, scratch_operands = 0 : i64, tpu.core_type = #tpu.core_type<tc>, window_params = [{transform_indices = @transform_0, window_bounds = array<i64: 16384, 64>}, {pipeline_mode = #tpu.pipeline_mode<synchronous>, transform_indices = @transform_1, window_bounds = array<i64: 50, 64>}, {pipeline_mode = #tpu.pipeline_mode<synchronous>, transform_indices = @transform_2, window_bounds = array<i64: 50, 1>}, {pipeline_mode = #tpu.pipeline_mode<synchronous>, transform_indices = @transform_3, window_bounds = array<i64: 50, 1>}, {pipeline_mode = #tpu.pipeline_mode<synchronous>, transform_indices = @transform_4, window_bounds = array<i64: 1, 1>}, {pipeline_mode = #tpu.pipeline_mode<synchronous>, transform_indices = @transform_5, window_bounds = array<i64: 16384, 128>}, {pipeline_mode = #tpu.pipeline_mode<synchronous>, transform_indices = @transform_6, window_bounds = array<i64: 128, 16384>}, {transform_indices = @transform_7, window_bounds = array<i64: 128, 128>}]} {
    %get3A = arith.constant 0 : index
    %get3A_0 = arith.constant 0 : index
    %get3A_1 = vector.load %arg2[%get3A, %get3A_0] : memref<50x64xf32, #tpu.memory_space<vmem>>, vector<50x64xf32>
    %get3A_2 = arith.constant 0 : index
    %get3A_3 = arith.constant 0 : index
    %get3A_4 = vector.load %arg3[%get3A_2, %get3A_3] : memref<50x1xf32, #tpu.memory_space<vmem>>, vector<50x1xf32>
    %dot_general3A = arith.constant dense<0.000000e+00> : vector<64x1xf32>
    %dot_general3A_5 = tpu.matmul %get3A_1, %get3A_4, %dot_general3A {dimension_numbers = #tpu.dot_dimension_numbers<[0], [0], [1], [1], [0, 1, 1, 1], [], []>, transpose_lhs_hint = false} : vector<50x64xf32>, vector<50x1xf32>, vector<64x1xf32> -> vector<64x1xf32>
    %get3A_6 = arith.constant 0 : index
    %get3A_7 = arith.constant 0 : index
    %get3A_8 = vector.load %arg3[%get3A_6, %get3A_7] : memref<50x1xf32, #tpu.memory_space<vmem>>, vector<50x1xf32>
    %get3A_9 = arith.constant 0 : index
    %get3A_10 = arith.constant 0 : index
    %get3A_11 = vector.load %arg4[%get3A_9, %get3A_10] : memref<50x1xf32, #tpu.memory_space<vmem>>, vector<50x1xf32>
    %mul3A = arith.mulf %get3A_8, %get3A_11 : vector<50x1xf32>
    %reduce_sum3A = vector.shape_cast %mul3A : vector<50x1xf32> to vector<1x50x1xf32>
    %reduce_sum3A_12 = arith.constant dense<0.000000e+00> : vector<1xf32>
    %reduce_sum3A_13 = vector.multi_reduction <add>, %reduce_sum3A, %reduce_sum3A_12 [1, 2] : vector<1x50x1xf32> to vector<1xf32>
    %reduce_sum3A_14 = vector.shape_cast %reduce_sum3A_13 : vector<1xf32> to vector<1x1x1xf32>
    %reduce_sum3A_15 = vector.extract %reduce_sum3A_14[0, 0, 0] : f32 from vector<1x1x1xf32>
    %get3A_16 = arith.constant 0 : index
    %get3A_17 = arith.constant 0 : index
    %get3A_18 = vector.load %arg5[%get3A_16, %get3A_17] : memref<1x1xf32, #tpu.memory_space<vmem>>, vector<1x1xf32>
    %get3A_19 = vector.extract %get3A_18[0, 0] : f32 from vector<1x1xf32>
    %add3A = arith.addf %reduce_sum3A_15, %get3A_19 : f32
    %get3A_20 = arith.constant 0 : index
    %get3A_21 = arith.constant 0 : index
    %get3A_22 = vector.load %arg1[%get3A_20, %get3A_21] : memref<16384x64xf32, #tpu.memory_space<vmem>>, vector<16384x64xf32>
    %dot_general3A_23 = arith.constant dense<0.000000e+00> : vector<16384x1xf32>
    %dot_general3A_24 = tpu.matmul %get3A_22, %dot_general3A_5, %dot_general3A_23 {dimension_numbers = #tpu.dot_dimension_numbers<[1], [0], [0], [1], [0, 0, 1, 1], [], []>, transpose_lhs_hint = false} : vector<16384x64xf32>, vector<64x1xf32>, vector<16384x1xf32> -> vector<16384x1xf32>
    %iota3A = tpu.iota {dimensions = array<i32: 0>} : vector<16384x1xi32>
    %mul3A_25 = arith.constant 16384 : i32
    %mul3A_26 = arith.muli %arg0, %mul3A_25 : i32
    %add3A_27 = vector.broadcast %mul3A_26 : i32 to vector<16384x1xi32>
    %add3A_28 = arith.addi %add3A_27, %iota3A : vector<16384x1xi32>
    %lt3A = arith.constant 1000000 : i32
    %lt3A_29 = vector.broadcast %lt3A : i32 to vector<16384x1xi32>
    %lt3A_30 = arith.cmpi slt, %add3A_28, %lt3A_29 : vector<16384x1xi32>
    %jit3A = arith.constant 0.000000e+00 : f32
    %broadcast_in_dim3A = vector.broadcast %jit3A : f32 to vector<16384x1xf32>
    %select_n3A = arith.select %lt3A_30, %dot_general3A_24, %broadcast_in_dim3A : vector<16384x1xi1>, vector<16384x1xf32>
    %broadcast_in_dim3A_31 = vector.shape_cast %select_n3A : vector<16384x1xf32> to vector<16384x1xf32>
    %broadcast_in_dim3A_32 = vector.broadcast %broadcast_in_dim3A_31 : vector<16384x1xf32> to vector<16384x128xf32>
    %get3A_33 = arith.constant 0 : index
    %get3A_34 = arith.constant 0 : index
    %get3A_35 = vector.load %arg6[%get3A_33, %get3A_34] : memref<16384x128xf32, #tpu.memory_space<vmem>>, vector<16384x128xf32>
    %mul3A_36 = arith.mulf %broadcast_in_dim3A_32, %get3A_35 : vector<16384x128xf32>
    %get3A_37 = arith.constant 0 : index
    %get3A_38 = arith.constant 0 : index
    %get3A_39 = vector.load %arg7[%get3A_37, %get3A_38] : memref<128x16384xf32, #tpu.memory_space<vmem>>, vector<128x16384xf32>
    %dot_general3A_40 = arith.constant dense<0.000000e+00> : vector<128x128xf32>
    %dot_general3A_41 = tpu.matmul %get3A_39, %mul3A_36, %dot_general3A_40 {dimension_numbers = #tpu.dot_dimension_numbers<[1], [0], [0], [1], [0, 0, 1, 1], [], []>, transpose_lhs_hint = false} : vector<128x16384xf32>, vector<16384x128xf32>, vector<128x128xf32> -> vector<128x128xf32>
    %add3A_42 = vector.broadcast %add3A : f32 to vector<128x128xf32>
    %add3A_43 = arith.addf %dot_general3A_41, %add3A_42 : vector<128x128xf32>
    %swap3A = arith.constant 0 : index
    %swap3A_44 = arith.constant 0 : index
    %swap3A_45 = vector.load %arg8[%swap3A, %swap3A_44] : memref<128x128xf32, #tpu.memory_space<vmem>>, vector<128x128xf32>
    tpu.vector_store %arg8[%swap3A, %swap3A_44], %add3A_43 {strides = array<i32>} : memref<128x128xf32, #tpu.memory_space<vmem>>, vector<128x128xf32>,
    return
  }
  func.func @transform_0(%arg0: i32) -> (i32, i32) {
    %c0_i32 = arith.constant 0 : i32
    %c0_i32_0 = arith.constant 0 : i32
    return %arg0, %c0_i32 : i32, i32
  }
  func.func @transform_1(%arg0: i32) -> (i32, i32) {
    %c0_i32 = arith.constant 0 : i32
    %c0_i32_0 = arith.constant 0 : i32
    %c0_i32_1 = arith.constant 0 : i32
    return %c0_i32, %c0_i32_0 : i32, i32
  }
  func.func @transform_2(%arg0: i32) -> (i32, i32) {
    %c0_i32 = arith.constant 0 : i32
    %c0_i32_0 = arith.constant 0 : i32
    %c0_i32_1 = arith.constant 0 : i32
    return %c0_i32, %c0_i32_0 : i32, i32
  }
  func.func @transform_3(%arg0: i32) -> (i32, i32) {
    %c0_i32 = arith.constant 0 : i32
    %c0_i32_0 = arith.constant 0 : i32
    %c0_i32_1 = arith.constant 0 : i32
    return %c0_i32, %c0_i32_0 : i32, i32
  }
  func.func @transform_4(%arg0: i32) -> (i32, i32) {
    %c0_i32 = arith.constant 0 : i32
    %c0_i32_0 = arith.constant 0 : i32
    %c0_i32_1 = arith.constant 0 : i32
    return %c0_i32, %c0_i32_0 : i32, i32
  }
  func.func @transform_5(%arg0: i32) -> (i32, i32) {
    %c0_i32 = arith.constant 0 : i32
    %c0_i32_0 = arith.constant 0 : i32
    %c0_i32_1 = arith.constant 0 : i32
    return %c0_i32, %c0_i32_0 : i32, i32
  }
  func.func @transform_6(%arg0: i32) -> (i32, i32) {
    %c0_i32 = arith.constant 0 : i32
    %c0_i32_0 = arith.constant 0 : i32
    %c0_i32_1 = arith.constant 0 : i32
    return %c0_i32, %c0_i32_0 : i32, i32
  }
  func.func @transform_7(%arg0: i32) -> (i32, i32) {
    %c0_i32 = arith.constant 0 : i32
    %c0_i32_0 = arith.constant 0 : i32
    return %arg0, %c0_i32 : i32, i32
  }
}

</mosaic_0001>

<sc_bundles>
// kernel: kernel.4.cloned.1.call-start
scs
__scs_entry_jumppad:
0x0: {  	(pc) =	sbr.rel $0x88, $3  }
0x1: {  	(tag) =	ssettag $0x0;
	lr =	simm.s32 $0x1  }
0x2: {  	[smem:$0x3F99] =	sst lr;
	_ =	strace $0xD0000000  }
0x3: {  	_ = 	snop  }
0x4: {  	_ = 	snop  }
0x5: {  	_ = 	snop  }
0x6: {  	_ = 	snop  }
0x7: {  	_ = 	snop  }
__scs_overlays_trampoline_lowered:
0x8: {  	[smem:$0x3FA8] =	sst s0  }
0x9: {  	[smem:$0x3FA9] =	sst s1  }
0xa: {  	[smem:$0x3FAA] =	sst s2  }
0xb: {  	[smem:$0x3FAB] =	sst s3  }
0xc: {  	[smem:$0x3FAC] =	sst s4  }
0xd: {  	[smem:$0x3FAD] =	sst s5  }
0xe: {  	[smem:$0x3FAE] =	sst s6  }
0xf: {  	[smem:$0x3FAF] =	sst s7  }
0x10: {  	[smem:$0x3FB0] =	sst s8  }
0x11: {  	[smem:$0x3FB1] =	sst s9;
	s0 =	simm.s32 @!p0 $0x0  }
0x12: {  	s1 =	sld [smem:$0x3F97];
	s0 =	simm.s32 @p0 $0x1  }
0x13: {  	[smem:$0x3FB2] =	sst s0;
	s0 =	simm.s32 @!p1 $0x0  }
0x14: {  	s2 =	sld [smem:$0x3F96];
	s0 =	simm.s32 @p1 $0x1  }
0x15: {  	[smem:$0x3FB3] =	sst s0;
	s0 =	simm.s32 @!p2 $0x0  }
0x16: {  	s3 =	sld [smem:$0x3FDB];
	s0 =	simm.s32 @p2 $0x1  }
0x17: {  	s4 =	simm.s32 $0x1BF5;
	[smem:$0x3FB5] =	sst s0  }
0x18: {  	s0 =	sld [smem:$0x3F98];
	_ =	swait.ge [sflag:s4], $0x0  }
0x19: {  	s7 =	sld [smem:$0x3F99]  }
0x1a: {  	s8 =	sadd.s32 $0xFFFFE003, lr  }
0x1b: {  	s9 =	sadd.s32 $0xFFFFFEF7, lr;
	s5 =	simm.s32 $0xFFFFFFFF;
	p2 =	slt.u32 s8, $0xFFFFF086  }
0x1c: {  	p1 =	slt.u32 s9, $0xF7A;
	s5 =	simm.s32 @!p2 $0x0  }
0x1d: {  	s5 =	simm.s32 @p1 $0x1;
	p0 =	seq.s32 s7, s2  }
0x1e: {  	s7 =	smul.u32 @!p0 $0xF7A, s2;
	p2 =	seq.s32 @!p0 s5, $0x0  }
0x1f: {  	s9 =	smul.u32 $0xF7A, s1;
	s8 =	simm.s32 @!p0 $0x1BF5;
	p2 =	por !p2, p0  }
0x20: {  	[sflag:s8] =	ssyncset.s32 @!p0 $0xFFFFF086;
	s6 =	sadd.s32 @!p0 s3, s7;
	s7 =	simm.s32 @!p0 $0x108  }
0x21: {  	s3 =	sadd.s32 s3, s9;
	s6 =	sadd.s32 @!p0 $0x88, s6;
	s7 =	simm.s32 @p2 $0x1082  }
0x22: {  	[simem:s7], [sflag:s8] =	dma.local @!p0 [hbm:s6], $0xF7A  }
0x23: {  	s9 =	sor.u32 $0xD0000000, s2;
	s6 =	simm.s32 $0x108;
	_ =	swait.ge @!p0 [sflag:s8], $0x0  }
0x24: {  	s3 =	sadd.s32 $0x88, s3;
	s6 =	simm.s32 @!p1 $0x1082;
	[sflag:s4] =	ssyncset.s32 $0xFFFFF086  }
0x25: {  	[simem:s6], [sflag:s4] =	dma.local [hbm:s3], $0xF7A  }
0x26: {  	[smem:$0x3F99] =	sst s1;
	(tag) =	ssettag s2;
	_ =	strace s9  }
0x27: {  	s1 =	sld [smem:$0x3FA9]  }
0x28: {  	s2 =	sld [smem:$0x3FAA]  }
0x29: {  	s4 =	sld [smem:$0x3FAC]  }
0x2a: {  	p0 =	seq.s32 s5, $0x0;
	s5 =	sld [smem:$0x3FAD]  }
0x2b: {  	s6 =	sld [smem:$0x3FAE]  }
0x2c: {  	s7 =	sld [smem:$0x3FAF]  }
0x2d: {  	s3 =	simm.s32 $0x108;
	s8 =	sld [smem:$0x3FB0]  }
0x2e: {  	s3 =	simm.s32 @!p0 $0x1082;
	s9 =	sld [smem:$0x3FB1]  }
0x2f: {  	lr =	sadd.s32 s0, s3;
	s0 =	sld [smem:$0x3FA8]  }
0x30: {  	s3 =	sld [smem:$0x3FAB]  }
0x31: {  	[smem:$0x3FB4] =	sst s10  }
0x32: {  	s10 =	sld [smem:$0x3FB2];
	_ =	sdelay $0x3  }
0x33: {  	p0 =	seq.s32 s10, $0x1;
	s10 =	sld [smem:$0x3FB4];
	_ =	sdelay $0x3  }
0x34: {  	[smem:$0x3FB4] =	sst s10  }
0x35: {  	s10 =	sld [smem:$0x3FB3];
	_ =	sdelay $0x3  }
0x36: {  	p1 =	seq.s32 s10, $0x1;
	s10 =	sld [smem:$0x3FB4];
	_ =	sdelay $0x3  }
0x37: {  	[smem:$0x3FB4] =	sst s10  }
0x38: {  	s10 =	sld [smem:$0x3FB5]  }
0x39: {  	_ = 	snop;
	(pc) =	sbr.ind lr, $3  }
0x3a: {  	_ = 	snop  }
0x3b: {  	_ = 	snop  }
0x3c: {  	p2 =	seq.s32 s10, $0x1;
	s10 =	sld [smem:$0x3FB4]  }
0x3d: {  	_ =	shalt  }
0x3e: {  	_ =	shalt  }
0x3f: {  	_ =	shalt  }
0x40: {  	_ =	shalt  }
0x41: {  	_ =	shalt  }
0x42: {  	_ =	shalt  }
0x43: {  	_ =	shalt  }
0x44: {  	_ =	shalt  }
0x45: {  	_ =	shalt  }
0x46: {  	_ =	shalt  }
0x47: {  	_ =	shalt  }
0x48: {  	_ =	shalt  }
0x49: {  	_ =	shalt  }
0x4a: {  	_ =	shalt  }
0x4b: {  	_ =	shalt  }
0x4c: {  	_ =	shalt  }
0x4d: {  	_ =	shalt  }
0x4e: {  	_ =	shalt  }
0x4f: {  	_ =	shalt  }
0x50: {  	_ =	shalt  }
0x51: {  	_ =	shalt  }
0x52: {  	_ =	shalt  }
0x53: {  	_ =	shalt  }
0x54: {  	_ =	shalt  }
0x55: {  	_ =	shalt  }
0x56: {  	_ =	shalt  }
0x57: {  	_ =	shalt  }
0x58: {  	_ =	shalt  }
0x59: {  	_ =	shalt  }
0x5a: {  	_ =	shalt  }
0x5b: {  	_ =	shalt  }
0x5c: {  	_ =	shalt  }
0x5d: {  	_ =	shalt  }
0x5e: {  	_ =	shalt  }
0x5f: {  	_ =	shalt  }
0x60: {  	_ =	shalt  }
0x61: {  	_ =	shalt  }
0x62: {  	_ =	shalt  }
0x63: {  	_ =	shalt  }
0x64: {  	_ =	shalt  }
0x65: {  	_ =	shalt  }
0x66: {  	_ =	shalt  }
0x67: {  	_ =	shalt  }
0x68: {  	_ =	shalt  }
0x69: {  	_ =	shalt  }
0x6a: {  	_ =	shalt  }
0x6b: {  	_ =	shalt  }
0x6c: {  	_ =	shalt  }
0x6d: {  	_ =	shalt  }
0x6e: {  	_ =	shalt  }
0x6f: {  	_ =	shalt  }
0x70: {  	_ =	shalt  }
0x71: {  	_ =	shalt  }
0x72: {  	_ =	shalt  }
0x73: {  	_ =	shalt  }
0x74: {  	_ =	shalt  }
0x75: {  	_ =	shalt  }
0x76: {  	_ =	shalt  }
0x77: {  	_ =	shalt  }
0x78: {  	_ =	shalt  }
0x79: {  	_ =	shalt  }
0x7a: {  	_ =	shalt  }
0x7b: {  	_ =	shalt  }
0x7c: {  	_ =	shalt  }
0x7d: {  	_ =	shalt  }
0x7e: {  	_ =	shalt  }
0x7f: {  	_ =	shalt  }
0x80: {  	_ =	shalt  }
0x81: {  	_ =	shalt  }
0x82: {  	_ =	shalt  }
0x83: {  	_ =	shalt  }
0x84: {  	_ =	shalt  }
0x85: {  	_ =	shalt  }
0x86: {  	_ =	shalt  }
0x87: {  	_ =	shalt  }
.Lfunc_end0:
.L_simem_size_0:
called_computation_lowered:
.L_overlay_start_0:
0x88: {  	s2 =	sld [smem:$0x3FD9]  }
0x89: {  	s3 =	sld [smem:$0x3FFE];
	_ =	sdelay $0x1  }
0x8a: {  	s1 =	srdreg.scid  }
0x8b: {  	s0 =	sand.u32 $0x1, s1  }
0x8c: {  	s17 =	sshll.u32 s0, $0xA;
	s2 =	sadd.s32 s3, s2  }
0x8d: {  	s2 =	sadd.s32 s2, s17  }
0x8e: {  	[smem:$0x3FC0] =	sst s2  }
0x8f: {  	_ = 	snop  }
0x90: {  	s2 =	sld [smem:$0x3FD0];
	(tm) =	ssettm $0x1  }
0x91: {  	s18 =	sld [smem:$0x3FFB];
	_ =	sdelay $0x3  }
0x92: {  	_ =	strace s18  }
0x93: {  	s3 =	sld [smem:$0x3FFC];
	_ =	sdelay $0x3  }
0x94: {  	_ =	strace s3  }
0x95: {  	s3 =	sld [smem:$0x3FFD];
	_ =	sdelay $0x3  }
0x96: {  	_ =	strace s3  }
0x97: {  	_ =	strace $0x8FFFFFFF  }
0x98: {  	s19 =	sld [smem:$0x3FDB];
	_ =	sdelay $0x1  }
0x99: {  	s4 =	simm.s32 $_scs_section_size  }
0x9a: {  	s5 =	simm.s32 $_size__tile_overlayer_lowered;
	s6 =	simm.s32 $_tile_overlayer_lowered  }
0x9b: {  	s22 =	simm.s32 $0x1BFF;
	s21 =	sshll.u32 s6, $0x1;
	s3 =	sadd.s32 s4, s19  }
0x9c: {  	s7 =	simm.s32 $0x0;
	s20 =	sshll.u32 s5, $0x1;
	s5 =	sadd.s32 s21, s3  }
0x9d: {  	[timem:s7], [sflag:s22] =	dma.local [hbm:s5], s20  }
0x9e: {  	_ =	swait.ge [sflag:s22], s20  }
0x9f: {  	s4 =	ssub.s32 $0x0, s20;
	[sflag:s22] =	ssyncset.done $0x0  }
0xa0: {  	[sflag:s22] =	ssyncadd.s32 s4;
	_ =	sdelay $0x1  }
0xa1: {  	s23 =	simm.s32 $0x1B8B  }
0xa2: {  	_ =	swait.ge [sflag:s23], $0x1  }
0xa3: {  	[sflag:s23] =	ssyncset.done $0x0  }
0xa4: {  	s25 =	simm.s32 $0x1B8E;
	s24 =	sld [smem:$0x3FFE];
	[sflag:s23] =	ssyncadd.s32 $0xFFFFFFFF  }
0xa5: {  	s26 =	simm.s32 $execute0_lowered;
	[smem:$0x3FD2] =	sst s25  }
0xa6: {  	s5 =	sshll.u32 s26, $0x1;
	_ =	strace $0x80000046;
	[dreg:$0x1] =	wrdreg $0xFFFFFFFF  }
0xa7: {  	s28 =	simm.s32 $_size_execute0_lowered;
	s3 =	sadd.s32 s3, s5;
	[dreg:$0x0] =	wrdreg $0x0  }
0xa8: {  	s5 =	sshll.u32 s28, $0x1;
	[dreg:$0x2] =	wrdreg s3  }
0xa9: {  	[dreg:$0x3] =	wrdreg s5  }
0xaa: {  	[dreg:$0x4] =	wrdreg $0xC0  }
0xab: {  	_ =	task [dreg:s7], $0x5FFFF  }
0xac: {  	[dreg:$0x1] =	wrdreg $0xFFFFFFFF  }
0xad: {  	[dreg:$0x0] =	wrdreg $0x60  }
0xae: {  	[dreg:$0x2] =	wrdreg s24  }
0xaf: {  	[dreg:$0x3] =	wrdreg s2  }
0xb0: {  	[dreg:$0x4] =	wrdreg $0xDA000  }
0xb1: {  	[dreg:$0x5] =	wrdreg $0x9  }
0xb2: {  	_ =	task.clear_ibuf [dreg:s7], $0x6FFFF;
	_ =	strace $0x90000046  }
0xb3: {  	s29 =	simm.s32 $0x9;
	_ =	strace $0x80000048  }
0xb4: {  	_ =	swait.ge [sflag:s29], $0x1  }
0xb5: {  	[sflag:s29] =	ssyncadd.s32 $0xFFFFFFFF  }
0xb6: {  	_ =	strace $0x90000048  }
0xb7: {  	_ =	sfence  }
0xb8: {  	s30 =	sld [smem:$0x0];
	_ =	sdelay $0x2  }
0xb9: {  	s31 =	sshll.u32 s1, $0xD;
	s1 =	sshrl.u32 s1, $0x2  }
0xba: {  	s3 =	sand.u32 $0x4000, s31;
	s1 =	sadd.s32 s1, s30  }
0xbb: {  	s0 =	sor.u32 s3, s0;
	s1 =	sshll.u32 s1, $0x11  }
0xbc: {  	s0 =	sor.u32 s1, s0  }
0xbd: {  	s0 =	sadd.s32 $0x8F2B, s0  }
0xbe: {  	[sflag:s0] =	ssyncadd.remote.s32 $0x1  }
0xbf: {  	_ =	sfence.sel $0xFFFF  }
0xc0: {  	[dreg:$0x0] =	wrdreg $0xFFFFFFFF;
	(pc) =	sbr.abs _section_cstart, $3  }
0xc1: {  	[dreg:$0x1] =	wrdreg $0xFFFFFFFF  }
0xc2: {  	_ =	task.clear_ibuf [dreg:s7], $0x2FFFF;
	_ =	strace $0x9FFFFFFF  }
0xc3: {  	(tm) =	ssettm $0x7FFFFFFF  }
tec
execute0_lowered:
.L_overlay_start_1:
0x0: {  	(tag) =	ssettag $0x1  }
0x1: {  	s5 =	rddreg [dreg:$0x0]  }
0x2: {  	s0 =	srdreg.scid;
	s7 =	rddreg [dreg:$0x1]  }
0x3: {  	s8 =	stileid.u32;
	s1 =	rddreg [dreg:$0x2]  }
0x4: {  	s2 =	simm.s32 $0x0;
	s12 =	simm.s32 $0x2;
	s13 =	simm.s32 $0xD800  }
0x5: {  	v0 =	vlaneseq.u32;
	s14 =	simm.s32 $0xD900;
	s15 =	simm.s32 $0x4800;
	s16 =	simm.s32 $0x9000  }
0x6: {  	s17 =	simm.s32 $0x1;
	s18 =	simm.s32 $0xD980;
	s19 =	simm.s32 $0x0;
	v2 =	vmul.u32 $0x90, v0  }
0x7: {  	s3 =	sand.u32 $0x1, s0;
	s26 =	sshll.u32 s8, $0x1;
	[smem:$0x7FF] =	sst s2  }
0x8: {  	s28 =	sshrl.u32 s8, $0x2;
	s0 =	rddreg [dreg:$0x3];
	_ =	strace $0x80000047;
	v3 =	vadd.s32 $0x900, v2;
	[tilespmem:$0x1FF80] =	vst v2  }
0x9: {  	p0 =	sne.s32 s8, $0x0;
	s6 =	sor.u32 s3, s26;
	s4 =	smul.u32 $0x24000, s28;
	v4 =	vadd.s32 $0x1200, v2;
	[tilespmem:$0x1FF90] =	vst v3  }
0xa: {  	s10 =	ssub.s32 $0x2, s3;
	s3 =	sadd.s32 $0x1800, s5;
	s29 =	sshll.u32 s6, $0x7;
	v5 =	vadd.s32 $0x1B00, v2;
	[tilespmem:$0x1FFA0] =	vst v4  }
0xb: {  	s11 =	sshrl.u32 s10, $0x1;
	s31 =	sshll.u32 s6, $0x4;
	v6 =	vadd.s32 $0x2400, v2;
	s9 =	sand.u32 $0x380, s29;
	[tilespmem:$0x1FFB0] =	vst v5  }
0xc: {  	v7 =	vadd.s32 $0x2D00, v2;
	s10 =	ssub.s32 s10, s11;
	s7 =	sadd.s32 s7, s31;
	[tilespmem:$0x1FFC0] =	vst v6;
	s4 =	sor.u32 s4, s9  }
0xd: {  	v8 =	vadd.s32 $0x3600, v2;
	s11 =	simm.s32 $0x400;
	[tilespmem:$0x1FFD0] =	vst v7;
	s8 =	smax.u32 s10, $0x1;
	s4 =	sshrl.u32 s4, $0x3  }
0xe: {  	v9 =	vadd.s32 $0x3F00, v2;
	[tilespmem:$0x1FFE0] =	vst v8;
	s9 =	sshrl.u32 @!p0 s1, $0x3;
	s10 =	simm.s32 $0x80;
	s30 =	sadd.s32 s4, s5  }
0xf: {  	[tilespmem:$0x1FFF0] =	vst v9;
	s4 =	sadd.s32 $0x1600, s5;
	s5 =	sadd.s32 $0x20800, s5;
	s6 =	sadd.s32 $0xF44800, s30  }
.LBB2_1:
0x10: {  	s20 =	simm.s32 @!p0 $0x1C02  }
0x11: {  	[spmem:s9], [sflag:s20] =	dma.local @!p0 [hbm:s3], $0x1F000  }
0x12: {  	s20 =	simm.s32 @!p0 $0x2  }
0x13: {  	_ =	swait.ge @!p0 [sflag:s20], $0x1F000  }
0x14: {  	[sflag:s20] =	ssyncset.done @!p0 $0x0  }
0x15: {  	[sflag:s20] =	ssyncadd.s32 @!p0 $0xFFFE1000  }
0x16: {  	[tilespmem:s2], [sflag:$0x2] =	stream.strided.gather [hbm4b:s6+s10], $0x4800, s11, s10, $0x38;
	[tilespmem:$0x1D200] =	vst v63  }
0x17: {  	_ =	swait.ge [sflag:s12], $0x4800  }
0x18: {  	[sflag:s12] =	ssyncset.done $0x0  }
0x19: {  	[sflag:s12] =	ssyncadd.s32 $0xFFFFB800  }
0x1a: {  	[tilespmem:s13], [sflag:$0x2] =	stream.linear.gather [hbm4b:s4+s2], $0x100, $0x38;
	[tilespmem:$0x1D200] =	vst v63  }
0x1b: {  	_ =	swait.ge [sflag:s12], $0x100  }
0x1c: {  	[sflag:s12] =	ssyncset.done $0x0  }
0x1d: {  	v0 =	vadd.s32 s2, v2;
	[sflag:s12] =	ssyncadd.s32 $0xFFFFFF00  }
0x1e: {  	[tilespmem:s14], [sflag:$0x2] =	stream.linear.gather [hbm4b:s5+s2], $0x80, $0x38;
	[tilespmem:$0x1D200] =	vst v63  }
0x1f: {  	_ =	swait.ge [sflag:s12], $0x80  }
0x20: {  	[sflag:s12] =	ssyncset.done $0x0  }
0x21: {  	[sflag:s12] =	ssyncadd.s32 $0xFFFFFF80  }
0x22: {  	v0 =	vld.idx.msk [tilespmem:v0+s2+$0x0], $0xffff  }
0x23: {  	v1 =	vadd.s32 s2, v3;
	_ =	sdelay $0x2  }
0x24: {  	s20 =	simm.s32 $0x4840  }
0x25: {  	[tilespmem:s20+$0xFFFFFFC0] =	vst v0  }
0x26: {  	v0 =	vld.idx.msk [tilespmem:v1+s2+$0x0], $0xffff  }
0x27: {  	v1 =	vadd.s32 s2, v4;
	_ =	sdelay $0x3  }
0x28: {  	[tilespmem:s20+$0xFFFFFFD0] =	vst v0  }
0x29: {  	v0 =	vld.idx.msk [tilespmem:v1+s2+$0x0], $0xffff  }
0x2a: {  	v1 =	vadd.s32 s2, v5;
	_ =	sdelay $0x3  }
0x2b: {  	[tilespmem:s20+$0xFFFFFFE0] =	vst v0  }
0x2c: {  	v0 =	vld.idx.msk [tilespmem:v1+s2+$0x0], $0xffff  }
0x2d: {  	v1 =	vadd.s32 s2, v6;
	_ =	sdelay $0x3  }
0x2e: {  	[tilespmem:s20+$0xFFFFFFF0] =	vst v0  }
0x2f: {  	v0 =	vld.idx.msk [tilespmem:v1+s2+$0x0], $0xffff  }
0x30: {  	v1 =	vadd.s32 s2, v7;
	_ =	sdelay $0x3  }
0x31: {  	[tilespmem:s20+$0x0] =	vst v0  }
0x32: {  	v0 =	vld.idx.msk [tilespmem:v1+s2+$0x0], $0xffff  }
0x33: {  	v1 =	vadd.s32 s2, v8;
	_ =	sdelay $0x3  }
0x34: {  	[tilespmem:s20+$0x10] =	vst v0  }
0x35: {  	v0 =	vld.idx.msk [tilespmem:v1+s2+$0x0], $0xffff  }
0x36: {  	v1 =	vadd.s32 s2, v9;
	_ =	sdelay $0x3  }
0x37: {  	[tilespmem:s20+$0x20] =	vst v0  }
0x38: {  	s21 =	simm.s32 $0x1;
	v0 =	vld.idx.msk [tilespmem:v1+s2+$0x0], $0xffff  }
0x39: {  	s22 =	simm.s32 $0x2;
	v1 =	vadd.s32 s21, v2  }
.LBB2_2:
0x3a: {  	p1 =	sne.s32 s22, $0x8F;
	_ =	sdelay $0x2  }
0x3b: {  	[tilespmem:s20+$0x30] =	vst v0  }
0x3c: {  	v0 =	vld.idx.msk [tilespmem:v1+s2+$0x0], $0xffff;
	_ =	sdelay $0x1  }
0x3d: {  	v1 =	vadd.s32 s21, v3;
	_ =	sdelay $0x2  }
0x3e: {  	s20 =	sadd.s32 $0x80, s20  }
0x3f: {  	[tilespmem:s20+$0xFFFFFFC0] =	vst v0  }
0x40: {  	v0 =	vld.idx.msk [tilespmem:v1+s2+$0x0], $0xffff;
	_ =	sdelay $0x1  }
0x41: {  	v1 =	vadd.s32 s21, v4;
	_ =	sdelay $0x3  }
0x42: {  	[tilespmem:s20+$0xFFFFFFD0] =	vst v0  }
0x43: {  	v0 =	vld.idx.msk [tilespmem:v1+s2+$0x0], $0xffff;
	_ =	sdelay $0x1  }
0x44: {  	v1 =	vadd.s32 s21, v5;
	_ =	sdelay $0x3  }
0x45: {  	[tilespmem:s20+$0xFFFFFFE0] =	vst v0  }
0x46: {  	v0 =	vld.idx.msk [tilespmem:v1+s2+$0x0], $0xffff;
	_ =	sdelay $0x1  }
0x47: {  	v1 =	vadd.s32 s21, v6;
	_ =	sdelay $0x3  }
0x48: {  	[tilespmem:s20+$0xFFFFFFF0] =	vst v0  }
0x49: {  	v0 =	vld.idx.msk [tilespmem:v1+s2+$0x0], $0xffff;
	_ =	sdelay $0x1  }
0x4a: {  	v1 =	vadd.s32 s21, v7;
	_ =	sdelay $0x3  }
0x4b: {  	[tilespmem:s20+$0x0] =	vst v0  }
0x4c: {  	v0 =	vld.idx.msk [tilespmem:v1+s2+$0x0], $0xffff;
	_ =	sdelay $0x1  }
0x4d: {  	v1 =	vadd.s32 s21, v8;
	_ =	sdelay $0x3  }
0x4e: {  	[tilespmem:s20+$0x10] =	vst v0  }
0x4f: {  	v0 =	vld.idx.msk [tilespmem:v1+s2+$0x0], $0xffff;
	_ =	sdelay $0x1  }
0x50: {  	v1 =	vadd.s32 s21, v9;
	s21 =	smov.u32 s22;
	_ =	sdelay $0x2  }
.Ltmp0:
0x51: {  	(pc) =	sbr.rel @p1 .LBB2_2-.Ltmp0, $3  }
0x52: {  	[tilespmem:s20+$0x20] =	vst v0  }
0x53: {  	v0 =	vld.idx.msk [tilespmem:v1+s2+$0x0], $0xffff;
	_ =	sdelay $0x1  }
0x54: {  	s22 =	sadd.s32 $0x1, s22;
	v1 =	vadd.s32 s21, v2  }
0x55: {  	_ =	sdelay $0x2  }
0x56: {  	[tilespmem:s20+$0x30] =	vst v0  }
0x57: {  	v0 =	vld.idx.msk [tilespmem:v1+s2+$0x0], $0xffff  }
0x58: {  	v1 =	vadd.s32 s21, v3;
	_ =	sdelay $0x2  }
0x59: {  	s30 =	sadd.s32 $0x80, s20  }
0x5a: {  	[tilespmem:s30+$0xFFFFFFC0] =	vst v0  }
0x5b: {  	v0 =	vld.idx.msk [tilespmem:v1+s2+$0x0], $0xffff  }
0x5c: {  	v1 =	vadd.s32 s21, v4;
	_ =	sdelay $0x3  }
0x5d: {  	[tilespmem:s30+$0xFFFFFFD0] =	vst v0  }
0x5e: {  	v0 =	vld.idx.msk [tilespmem:v1+s2+$0x0], $0xffff  }
0x5f: {  	v1 =	vadd.s32 s21, v5;
	_ =	sdelay $0x3  }
0x60: {  	[tilespmem:s30+$0xFFFFFFE0] =	vst v0  }
0x61: {  	v0 =	vld.idx.msk [tilespmem:v1+s2+$0x0], $0xffff  }
0x62: {  	v1 =	vadd.s32 s21, v6;
	_ =	sdelay $0x3  }
0x63: {  	[tilespmem:s30+$0xFFFFFFF0] =	vst v0  }
0x64: {  	v0 =	vld.idx.msk [tilespmem:v1+s2+$0x0], $0xffff  }
0x65: {  	v1 =	vadd.s32 s21, v7;
	_ =	sdelay $0x3  }
0x66: {  	[tilespmem:s30+$0x0] =	vst v0  }
0x67: {  	v0 =	vld.idx.msk [tilespmem:v1+s2+$0x0], $0xffff  }
0x68: {  	v1 =	vadd.s32 s21, v8;
	_ =	sdelay $0x3  }
0x69: {  	[tilespmem:s30+$0x10] =	vst v0  }
0x6a: {  	v0 =	vld.idx.msk [tilespmem:v1+s2+$0x0], $0xffff  }
0x6b: {  	v1 =	vadd.s32 s21, v9;
	_ =	sdelay $0x3  }
0x6c: {  	[tilespmem:s30+$0x20] =	vst v0  }
0x6d: {  	v0 =	vld.idx.msk [tilespmem:v1+s2+$0x0], $0xffff;
	_ =	sdelay $0x4  }
0x6e: {  	[tilespmem:s30+$0x30] =	vst v0  }
0x6f: {  	[bflag:$0x0] =	sbarrier.arrive $0xFFFF  }
0x70: {  	[tilespmem:s16], [sflag:$0x1] =	stream.indirect.gather [spmem:s1], $0x1, s15, s15, $0xb8;
	[tilespmem:$0x1D200] =	vst v63  }
0x71: {  	_ =	swait.ge [sflag:s17], $0x4800  }
0x72: {  	[sflag:s17] =	ssyncset.done $0x0  }
0x73: {  	s20 =	simm.s32 $0x9400;
	[sflag:s17] =	ssyncadd.s32 $0xFFFFB800  }
0x74: {  	v35 =	vld [tilespmem:s20+$0x380]  }
0x75: {  	v36 =	vld [tilespmem:s20+$0x390]  }
0x76: {  	v42 =	vld [tilespmem:s20+$0x3A0]  }
0x77: {  	v45 =	vld [tilespmem:s20+$0x3B0]  }
0x78: {  	v47 =	vld [tilespmem:s20+$0x3C0]  }
0x79: {  	v48 =	vld [tilespmem:s20+$0x3D0]  }
0x7a: {  	v52 =	vld [tilespmem:s20+$0x300]  }
0x7b: {  	v53 =	vld [tilespmem:s20+$0x310]  }
0x7c: {  	v54 =	vld [tilespmem:s20+$0x320]  }
0x7d: {  	v55 =	vld [tilespmem:s20+$0x330]  }
0x7e: {  	v56 =	vld [tilespmem:s20+$0x340]  }
0x7f: {  	v57 =	vld [tilespmem:s20+$0x350]  }
0x80: {  	v29 =	vld [tilespmem:s20+$0x280]  }
0x81: {  	v51 =	vld [tilespmem:s20+$0x290]  }
0x82: {  	v50 =	vld [tilespmem:s20+$0x2A0]  }
0x83: {  	v49 =	vld [tilespmem:s20+$0x2B0]  }
0x84: {  	v30 =	vld [tilespmem:s20+$0x2C0]  }
0x85: {  	v46 =	vld [tilespmem:s20+$0x2D0]  }
0x86: {  	v26 =	vld [tilespmem:s20+$0x200]  }
0x87: {  	v0 =	vld [tilespmem:s20+$0x120]  }
0x88: {  	v21 =	vld [tilespmem:s20+$0x210]  }
0x89: {  	v44 =	vld [tilespmem:s20+$0x220]  }
0x8a: {  	v43 =	vld [tilespmem:s20+$0x230]  }
0x8b: {  	v32 =	vld [tilespmem:s20+$0x240]  }
0x8c: {  	[tilespmem:$0x1FF40] =	vst v0;
	v0 =	vld [tilespmem:s20+$0x130]  }
0x8d: {  	v31 =	vld [tilespmem:s20+$0x250]  }
0x8e: {  	v37 =	vld [tilespmem:s20+$0x180]  }
0x8f: {  	s31 =	simm.s32 $0x0;
	v33 =	vld [tilespmem:s20+$0x190]  }
0x90: {  	v24 =	vld [tilespmem:s31+$0xD800]  }
0x91: {  	[tilespmem:$0x1FF50] =	vst v0;
	v0 =	vld [tilespmem:s20+$0x140]  }
0x92: {  	v17 =	vld [tilespmem:s20+$0xFFFFFD00]  }
0x93: {  	v20 =	vld [tilespmem:s20+$0xFFFFFC80]  }
0x94: {  	v16 =	vld [tilespmem:s20+$0xFFFFFC00]  }
0x95: {  	v22 =	vld [tilespmem:s20+$0xFFFFFC10]  }
0x96: {  	v9 =	vbroadcast v24, $0xE;
	v8 =	vbroadcast v24, $0xF;
	[tilespmem:$0x1FF60] =	vst v0;
	v0 =	vld [tilespmem:s20+$0x150]  }
0x97: {  	v40 =	vld [tilespmem:s20+$0xFFFFFC90];
	v59 =	vbroadcast v24, $0xC;
	v10 =	vbroadcast v24, $0xD  }
0x98: {  	v41 =	vld [tilespmem:s20+$0xFFFFFC20];
	v13 =	vbroadcast v24, $0xA;
	v12 =	vbroadcast v24, $0xB  }
0x99: {  	v58 =	vld [tilespmem:s20+$0xFFFFFC30];
	v28 =	vbroadcast v24, $0x0;
	v15 =	vbroadcast v24, $0x8  }
0x9a: {  	v61 =	vld [tilespmem:s20+$0xFFFFFCB0];
	v14 =	vbroadcast v24, $0x9;
	v25 =	vbroadcast v24, $0x1  }
0x9b: {  	v23 =	vbroadcast v24, $0x2;
	v60 =	vmul.f32 v16, v28;
	[tilespmem:$0x1FF70] =	vst v0;
	v0 =	vld [tilespmem:s20+$0xFFFFFCA0]  }
0x9c: {  	v1 =	vimm.f32 $0.0e+00;
	v62 =	vld [tilespmem:s20+$0xFFFFFD10];
	v16 =	vbroadcast v24, $0x6;
	v22 =	vmul.f32 v22, v28  }
0x9d: {  	v3 =	vld [tilespmem:s20+$0xFFFFFD20];
	v20 =	vmul.f32 v20, v25;
	v40 =	vmul.f32 v40, v25;
	v60 =	vadd.f32 v60, v1  }
0x9e: {  	v19 =	vld [tilespmem:s20+$0x1A0];
	v41 =	vmul.f32 v41, v28;
	v63 =	vmul.f32 v17, v23;
	v22 =	vadd.f32 v22, v1  }
0x9f: {  	v18 =	vld [tilespmem:s20+$0x1B0];
	v17 =	vmul.f32 v58, v28;
	v2 =	vmul.f32 v61, v25;
	v60 =	vadd.f32 v20, v60  }
0xa0: {  	v58 =	vld [tilespmem:s20+$0xFFFFFD30];
	v40 =	vadd.f32 v40, v22;
	v22 =	vadd.f32 v41, v1;
	v20 =	vmul.f32 v0, v25  }
0xa1: {  	v61 =	vld [tilespmem:s20+$0xFFFFFD80];
	v62 =	vmul.f32 v62, v23;
	v41 =	vadd.f32 v17, v1;
	v0 =	vimm.f32 $0.0e+00  }
0xa2: {  	v7 =	vld [tilespmem:s20+$0x1C0];
	v3 =	vmul.f32 v3, v23;
	v17 =	vbroadcast v24, $0x7;
	[tilespmem:$0x1FEA0] =	vst v0;
	v0 =	vadd.f32 v20, v22  }
0xa3: {  	v6 =	vld [tilespmem:s20+$0x1D0];
	v11 =	vadd.f32 v2, v41;
	v22 =	vbroadcast v24, $0x4;
	v20 =	vbroadcast v24, $0x5  }
0xa4: {  	v2 =	vld [tilespmem:s20+$0xFFFFFDA0];
	v24 =	vbroadcast v24, $0x3;
	v0 =	vadd.f32 v3, v0;
	v3 =	vmul.f32 v42, v8  }
0xa5: {  	v1 =	vld [tilespmem:s20+$0xFFFFFD90];
	v62 =	vadd.f32 v62, v40;
	v40 =	vmul.f32 v36, v8;
	v36 =	vmul.f32 v58, v23  }
0xa6: {  	v58 =	vld [tilespmem:s20+$0xFFFFFE00];
	[tilespmem:$0x1FEC0] =	vst v3;
	v3 =	vmul.f32 v61, v24;
	v61 =	vmul.f32 v45, v8  }
0xa7: {  	v4 =	vld [tilespmem:s20+$0x100]  }
0xa8: {  	[tilespmem:$0x1FED0] =	vst v61;
	v61 =	vld [tilespmem:s20+$0xFFFFFE20]  }
0xa9: {  	v60 =	vadd.f32 v63, v60;
	v63 =	vld [tilespmem:s20+$0xFFFFFDB0];
	v2 =	vmul.f32 v2, v24  }
0xaa: {  	v5 =	vld [tilespmem:s20+$0x110];
	v1 =	vmul.f32 v1, v24  }
0xab: {  	v0 =	vadd.f32 v2, v0;
	v2 =	vmul.f32 v58, v22;
	v3 =	vadd.f32 v3, v60;
	v60 =	vld [tilespmem:s20+$0xFFFFFE30]  }
0xac: {  	v35 =	vmul.f32 v35, v8;
	v41 =	vmul.f32 v47, v8;
	v1 =	vadd.f32 v1, v62;
	v62 =	vld [tilespmem:s20+$0xFFFFFE80]  }
0xad: {  	v47 =	vmul.f32 v53, v9;
	v42 =	vld [tilespmem:s20+$0xFFFFFE10];
	v2 =	vadd.f32 v2, v3;
	v3 =	vmul.f32 v61, v22  }
0xae: {  	[tilespmem:$0x1FEB0] =	vst v35;
	v53 =	vld [tilespmem:s20+$0xFFFFFEA0];
	v11 =	vadd.f32 v36, v11;
	v36 =	vmul.f32 v48, v8;
	v35 =	vmul.f32 v63, v24  }
0xaf: {  	v48 =	vmul.f32 v52, v9;
	v52 =	vld [tilespmem:s20+$0xFFFFFE90];
	v0 =	vadd.f32 v3, v0;
	v3 =	vmul.f32 v56, v9  }
0xb0: {  	v58 =	vadd.f32 v35, v11;
	v35 =	vmul.f32 v60, v22;
	v60 =	vld [tilespmem:s20+$0xFFFFFF00]  }
0xb1: {  	v39 =	vld [tilespmem:s20+$0x80];
	[tilespmem:$0x1FEE0] =	vst v3;
	v3 =	vmul.f32 v62, v20  }
0xb2: {  	v38 =	vld [tilespmem:s20+$0x90];
	v42 =	vmul.f32 v42, v22  }
0xb3: {  	v34 =	vld [tilespmem:s20+$0xA0];
	v2 =	vadd.f32 v3, v2;
	v3 =	vmul.f32 v53, v20  }
0xb4: {  	v1 =	vadd.f32 v42, v1;
	v42 =	vmul.f32 v55, v9;
	v55 =	vadd.f32 v35, v58;
	v35 =	vld [tilespmem:s20+$0xFFFFFF20]  }
0xb5: {  	v27 =	vld [tilespmem:s20+$0xB0];
	v52 =	vmul.f32 v52, v20;
	v0 =	vadd.f32 v3, v0;
	v3 =	vmul.f32 v60, v16  }
0xb6: {  	v63 =	vmul.f32 v50, v10;
	v50 =	vmul.f32 v49, v10;
	v49 =	vld [tilespmem:s20+$0x20]  }
0xb7: {  	v45 =	vmul.f32 v54, v9;
	v54 =	vld [tilespmem:s20+$0xFFFFFEB0];
	v2 =	vadd.f32 v3, v2;
	v3 =	vmul.f32 v30, v10  }
0xb8: {  	v11 =	vmul.f32 v57, v9;
	v1 =	vadd.f32 v52, v1;
	v52 =	vld [tilespmem:s20+$0xFFFFFF80]  }
0xb9: {  	v57 =	vmul.f32 v39, v14;
	v39 =	vld [tilespmem:s20+$0xFFFFFE50];
	[tilespmem:$0x1FF00] =	vst v3;
	v3 =	vmul.f32 v35, v16  }
0xba: {  	v61 =	vld [tilespmem:s20+$0xFFFFFF10]  }
0xbb: {  	v58 =	vmul.f32 v29, v10;
	v29 =	vld [tilespmem:s20+$0xFFFFFF30];
	v0 =	vadd.f32 v3, v0;
	v3 =	vmul.f32 v26, v59  }
0xbc: {  	[tilespmem:$0x1FEF0] =	vst v11;
	v11 =	vmul.f32 v51, v10;
	v56 =	vmul.f32 v54, v20;
	v54 =	vld [tilespmem:s20+$0xFFFFFFA0]  }
0xbd: {  	v62 =	vmul.f32 v46, v10;
	v53 =	vld [tilespmem:s20+$0xFFFFFF90];
	[tilespmem:$0x1FF20] =	vst v3;
	v3 =	vmul.f32 v52, v17  }
0xbe: {  	v51 =	vadd.f32 v56, v55;
	v46 =	vld [tilespmem:s20+$0x0];
	v56 =	vmul.f32 v32, v59;
	v32 =	vmul.f32 v19, v12  }
0xbf: {  	v55 =	vld [tilespmem:s20+$0xD0];
	v61 =	vmul.f32 v61, v16;
	v2 =	vadd.f32 v3, v2;
	v3 =	vmul.f32 v44, v59  }
0xc0: {  	[tilespmem:$0x1FF10] =	vst v62;
	v62 =	vmul.f32 v21, v59;
	v29 =	vmul.f32 v29, v16;
	v30 =	vld [tilespmem:s20+$0xFFFFFFB0]  }
0xc1: {  	v19 =	vld [tilespmem:s20+$0xFFFFFED0];
	v60 =	vmul.f32 v43, v59;
	[tilespmem:$0x1FF30] =	vst v3;
	v3 =	vmul.f32 v54, v17  }
0xc2: {  	v1 =	vadd.f32 v61, v1;
	v43 =	vmul.f32 v49, v15;
	v49 =	vld [tilespmem:s20+$0x50];
	v21 =	vmul.f32 v53, v17  }
0xc3: {  	v29 =	vadd.f32 v29, v51;
	v51 =	vld [tilespmem:s20+$0xC0];
	v0 =	vadd.f32 v3, v0;
	v3 =	vmul.f32 v46, v15  }
0xc4: {  	v35 =	vld [tilespmem:s20+$0x30];
	v1 =	vadd.f32 v21, v1  }
0xc5: {  	v26 =	vld [tilespmem:s20+$0x10];
	v21 =	vmul.f32 v30, v17;
	v2 =	vadd.f32 v3, v2;
	v3 =	vmul.f32 v37, v12  }
0xc6: {  	v53 =	vld [tilespmem:s20+$0xFFFFFFD0];
	v0 =	vadd.f32 v43, v0;
	v37 =	vmul.f32 v7, v12;
	v7 =	vmul.f32 v34, v14  }
0xc7: {  	v21 =	vadd.f32 v21, v29;
	v29 =	vld [tilespmem:s20+$0x40]  }
0xc8: {  	v4 =	vmul.f32 v4, v13;
	v2 =	vadd.f32 v57, v2;
	v0 =	vadd.f32 v7, v0;
	v7 =	vld [tilespmem:$0x1FF40]  }
0xc9: {  	v44 =	vmul.f32 v35, v15;
	v35 =	vmul.f32 v18, v12;
	v18 =	vld [tilespmem:s20+$0xFFFFFDC0]  }
0xca: {  	v5 =	vmul.f32 v5, v13;
	v26 =	vmul.f32 v26, v15;
	v4 =	vadd.f32 v4, v2;
	v2 =	vld [tilespmem:$0x1FF60]  }
0xcb: {  	v21 =	vadd.f32 v44, v21;
	v54 =	vld [tilespmem:s20+$0xFFFFFF50];
	v34 =	vmul.f32 v6, v12;
	v6 =	vmul.f32 v27, v14  }
0xcc: {  	v61 =	vmul.f32 v38, v14;
	v1 =	vadd.f32 v26, v1;
	v46 =	vmul.f32 v31, v59;
	v31 =	vld [tilespmem:s20+$0xFFFFFF40]  }
0xcd: {  	v49 =	vmul.f32 v49, v15;
	v6 =	vadd.f32 v6, v21;
	v21 =	vmul.f32 v7, v13;
	v7 =	vld [tilespmem:$0x1FF50]  }
0xce: {  	v51 =	vmul.f32 v51, v14;
	v44 =	vmul.f32 v55, v14;
	v1 =	vadd.f32 v61, v1;
	v27 =	vld [tilespmem:s20+$0xFFFFFEC0]  }
0xcf: {  	v26 =	vmul.f32 v33, v12;
	v57 =	vmul.f32 v2, v13;
	v2 =	vld [tilespmem:$0x1FF70]  }
0xd0: {  	v52 =	vld [tilespmem:s20+$0xFFFFFFC0];
	v61 =	vmul.f32 v29, v15;
	v5 =	vadd.f32 v5, v1;
	v1 =	vmul.f32 v54, v16  }
0xd1: {  	v30 =	vld [tilespmem:s20+$0xFFFFFE40];
	v54 =	vmul.f32 v39, v22;
	v55 =	vadd.f32 v3, v4;
	v3 =	vmul.f32 v31, v16  }
0xd2: {  	v4 =	vmul.f32 v19, v20;
	v33 =	vmul.f32 v7, v13;
	v7 =	vld [tilespmem:s20+$0xFFFFFDD0]  }
0xd3: {  	v29 =	vld [tilespmem:s20+$0xFFFFFD40];
	v19 =	vmul.f32 v18, v24;
	v21 =	vadd.f32 v21, v0;
	v0 =	vmul.f32 v53, v17  }
0xd4: {  	v43 =	vimm.f32 $0.0e+00;
	v18 =	vld [tilespmem:s20+$0xFFFFFC40];
	v53 =	vmul.f32 v27, v20;
	v38 =	vmul.f32 v2, v13  }
0xd5: {  	v27 =	vld [tilespmem:s20+$0xFFFFFCD0];
	v6 =	vadd.f32 v33, v6;
	v2 =	vmul.f32 v52, v17;
	v52 =	vadd.f32 v26, v5  }
0xd6: {  	v26 =	vld [tilespmem:s20+$0xFFFFFD50];
	v5 =	vadd.f32 v32, v21;
	v21 =	vmul.f32 v30, v22;
	v33 =	vimm.f32 $0.0e+00  }
0xd7: {  	s21 =	simm.s32 $0x40;
	v30 =	vld [tilespmem:s20+$0xFFFFFCC0];
	v6 =	vadd.f32 v35, v6;
	v35 =	vimm.f32 $0.0e+00;
	v7 =	vmul.f32 v7, v24  }
.LBB2_4:
0xd8: {  	v32 =	vld [tilespmem:$0x1FF20];
	_ =	sdelay $0x2  }
0xd9: {  	v39 =	vld [tilespmem:$0x1FF30];
	_ =	sdelay $0x1  }
0xda: {  	v55 =	vadd.f32 v32, v55;
	_ =	sdelay $0x1  }
0xdb: {  	v55 =	vadd.f32 v58, v55  }
0xdc: {  	v5 =	vadd.f32 v39, v5  }
0xdd: {  	v48 =	vadd.f32 v48, v55;
	v55 =	vld [tilespmem:$0x1FEC0]  }
0xde: {  	v5 =	vadd.f32 v63, v5;
	_ =	sdelay $0x1  }
0xdf: {  	v5 =	vadd.f32 v45, v5;
	_ =	sdelay $0x1  }
0xe0: {  	v5 =	vadd.f32 v55, v5  }
0xe1: {  	v6 =	vadd.f32 v60, v6  }
0xe2: {  	[tilespmem:$0x1FD50] =	vst v5;
	v5 =	vld [tilespmem:$0x1FED0]  }
0xe3: {  	v31 =	vld [tilespmem:s20+$0xFFFFFC50];
	v6 =	vadd.f32 v50, v6  }
0xe4: {  	v52 =	vadd.f32 v62, v52;
	v62 =	vld [tilespmem:s20+$0xFFFFFC60]  }
0xe5: {  	v60 =	vld [tilespmem:s20+$0xFFFFFC70];
	v6 =	vadd.f32 v42, v6  }
0xe6: {  	v50 =	vld [tilespmem:s20+$0xFFFFFCF0]  }
0xe7: {  	v52 =	vadd.f32 v11, v52;
	v11 =	vld [tilespmem:s20+$0x3E0];
	v5 =	vadd.f32 v5, v6  }
0xe8: {  	v39 =	vld [tilespmem:$0x1FEB0]  }
0xe9: {  	[tilespmem:$0x1FD60] =	vst v5;
	v5 =	vld [tilespmem:$0x1FEA0]  }
0xea: {  	v29 =	vmul.f32 v29, v23;
	v26 =	vmul.f32 v26, v23;
	v58 =	vld [tilespmem:s20+$0xFFFFFCE0]  }
0xeb: {  	v30 =	vmul.f32 v30, v25;
	v62 =	vmul.f32 v62, v28;
	v47 =	vadd.f32 v47, v52;
	v52 =	vld [tilespmem:s20+$0xFFFFFD60]  }
0xec: {  	v18 =	vmul.f32 v18, v28;
	v31 =	vmul.f32 v31, v28;
	v63 =	vld [tilespmem:s20+$0xFFFFFD70]  }
0xed: {  	v28 =	vmul.f32 v60, v28;
	v35 =	vadd.f32 v62, v35;
	v32 =	vadd.f32 v39, v48;
	v48 =	vld [tilespmem:s20+$0xFFFFFDE0]  }
0xee: {  	v27 =	vmul.f32 v27, v25;
	v6 =	vadd.f32 v31, v43;
	v31 =	vld [tilespmem:s20+$0xFFFFFDF0];
	v5 =	vadd.f32 v18, v5  }
0xef: {  	v28 =	vadd.f32 v28, v33;
	v18 =	vmul.f32 v58, v25;
	v25 =	vmul.f32 v50, v25;
	v58 =	vld [tilespmem:s20+$0xFFFFFE60]  }
0xf0: {  	v6 =	vadd.f32 v27, v6;
	v27 =	vmul.f32 v52, v23;
	v5 =	vadd.f32 v30, v5;
	v30 =	vld [tilespmem:s20+$0xFFFFFE70]  }
0xf1: {  	v23 =	vmul.f32 v63, v23;
	v18 =	vadd.f32 v18, v35;
	v25 =	vadd.f32 v25, v28;
	v28 =	vld [tilespmem:s20+$0xFFFFFEE0]  }
0xf2: {  	v6 =	vadd.f32 v26, v6;
	v26 =	vmul.f32 v48, v24;
	v5 =	vadd.f32 v29, v5;
	v29 =	vld [tilespmem:s20+$0xFFFFFEF0]  }
0xf3: {  	v24 =	vmul.f32 v31, v24;
	v18 =	vadd.f32 v27, v18;
	v23 =	vadd.f32 v23, v25;
	v25 =	vld [tilespmem:s20+$0xFFFFFF60]  }
0xf4: {  	v6 =	vadd.f32 v7, v6;
	v7 =	vmul.f32 v58, v22;
	v5 =	vadd.f32 v19, v5;
	v19 =	vld [tilespmem:s20+$0xFFFFFF70]  }
0xf5: {  	v18 =	vadd.f32 v26, v18;
	v23 =	vadd.f32 v24, v23;
	v24 =	vld [tilespmem:s20+$0xFFFFFFE0];
	v22 =	vmul.f32 v30, v22  }
0xf6: {  	v6 =	vadd.f32 v54, v6;
	v26 =	vld [tilespmem:s20+$0xFFFFFFF0];
	v5 =	vadd.f32 v21, v5  }
0xf7: {  	v7 =	vadd.f32 v7, v18;
	v18 =	vadd.f32 v22, v23;
	v22 =	vld [tilespmem:s20+$0x60]  }
0xf8: {  	s22 =	sshra.s32 s21, $0x2;
	v21 =	vmul.f32 v28, v20;
	v20 =	vmul.f32 v29, v20;
	v23 =	vld [tilespmem:s20+$0x70]  }
0xf9: {  	v4 =	vadd.f32 v4, v6;
	v6 =	vmul.f32 v25, v16;
	v25 =	vld [tilespmem:s22+$0xD800];
	v5 =	vadd.f32 v53, v5  }
0xfa: {  	v7 =	vadd.f32 v21, v7;
	v18 =	vadd.f32 v20, v18;
	v16 =	vmul.f32 v19, v16;
	v19 =	vld [tilespmem:s20+$0xE0]  }
0xfb: {  	v1 =	vadd.f32 v1, v4;
	v4 =	vmul.f32 v24, v17;
	v3 =	vadd.f32 v3, v5;
	v5 =	vld [tilespmem:s20+$0xF0]  }
0xfc: {  	v6 =	vadd.f32 v6, v7;
	v7 =	vadd.f32 v16, v18;
	v16 =	vmul.f32 v26, v17;
	v17 =	vld [tilespmem:s20+$0x160]  }
0xfd: {  	v0 =	vadd.f32 v0, v1;
	v2 =	vadd.f32 v2, v3;
	v1 =	vmul.f32 v22, v15;
	v3 =	vld [tilespmem:s20+$0x170]  }
0xfe: {  	v4 =	vadd.f32 v4, v6;
	v6 =	vadd.f32 v16, v7;
	v7 =	vmul.f32 v23, v15;
	v15 =	vld [tilespmem:s20+$0x1E0]  }
0xff: {  	v18 =	vld [tilespmem:s20+$0x1F0];
	v16 =	vmul.f32 v19, v14  }
0x100: {  	v1 =	vadd.f32 v1, v4;
	v4 =	vadd.f32 v7, v6;
	v5 =	vmul.f32 v5, v14;
	v6 =	vld [tilespmem:s20+$0x260]  }
0x101: {  	v14 =	vld [tilespmem:s20+$0x270]  }
0x102: {  	v7 =	vmul.f32 v17, v13;
	v1 =	vadd.f32 v16, v1;
	v4 =	vadd.f32 v5, v4;
	v5 =	vld [tilespmem:s20+$0x2E0]  }
0x103: {  	v3 =	vmul.f32 v3, v13;
	v13 =	vmul.f32 v15, v12;
	v15 =	vld [tilespmem:s20+$0x2F0]  }
0x104: {  	v1 =	vadd.f32 v7, v1;
	v7 =	vld [tilespmem:s20+$0x360]  }
0x105: {  	v3 =	vadd.f32 v3, v4;
	v4 =	vmul.f32 v18, v12;
	v12 =	vld [tilespmem:s20+$0x370]  }
0x106: {  	v1 =	vadd.f32 v13, v1;
	v13 =	vld [tilespmem:s20+$0x3F0];
	s20 =	sadd.s32 $0x800, s20  }
0x107: {  	v18 =	vld [tilespmem:s20+$0x380]  }
0x108: {  	v19 =	vld [tilespmem:s20+$0x3A0]  }
0x109: {  	v21 =	vld [tilespmem:s20+$0x3C0]  }
0x10a: {  	v0 =	vadd.f32 v49, v0;
	v26 =	vld [tilespmem:s20+$0x350]  }
0x10b: {  	v27 =	vld [tilespmem:s20+$0x280]  }
0x10c: {  	v0 =	vadd.f32 v44, v0;
	v29 =	vld [tilespmem:s20+$0x290]  }
0x10d: {  	v30 =	vld [tilespmem:s20+$0x2A0]  }
0x10e: {  	v0 =	vadd.f32 v38, v0;
	v31 =	vld [tilespmem:s20+$0x2B0]  }
0x10f: {  	[tilespmem:$0x1FD30] =	vst v32;
	v32 =	vld [tilespmem:s20+$0x2C0]  }
0x110: {  	v0 =	vadd.f32 v34, v0;
	v34 =	vld [tilespmem:s20+$0x2D0]  }
0x111: {  	v60 =	vld [tilespmem:s20+$0x200]  }
0x112: {  	v2 =	vadd.f32 v61, v2;
	v39 =	vld [tilespmem:s20+$0x210]  }
0x113: {  	v61 =	vld [tilespmem:s20+$0x220]  }
0x114: {  	v2 =	vadd.f32 v51, v2;
	v62 =	vld [tilespmem:s20+$0x230]  }
0x115: {  	v3 =	vadd.f32 v4, v3;
	v4 =	vmul.f32 v14, v59;
	v63 =	vld [tilespmem:s20+$0x240]  }
0x116: {  	v2 =	vadd.f32 v57, v2;
	v51 =	vld [tilespmem:s20+$0x250]  }
0x117: {  	v5 =	vmul.f32 v5, v10;
	v3 =	vadd.f32 v4, v3;
	v4 =	vmul.f32 v15, v10;
	v10 =	vld [tilespmem:$0x1FF00]  }
0x118: {  	v2 =	vadd.f32 v37, v2;
	v52 =	vld [tilespmem:s20+$0x180]  }
0x119: {  	v7 =	vmul.f32 v7, v9;
	v3 =	vadd.f32 v4, v3;
	v4 =	vmul.f32 v12, v9;
	v9 =	vld [tilespmem:$0x1FEE0]  }
0x11a: {  	v53 =	vld [tilespmem:s20+$0x190];
	v2 =	vadd.f32 v56, v2  }
0x11b: {  	v54 =	vld [tilespmem:s20+$0x1A0]  }
0x11c: {  	v2 =	vadd.f32 v10, v2;
	v10 =	vld [tilespmem:$0x1FF10]  }
0x11d: {  	v6 =	vmul.f32 v6, v59;
	v55 =	vld [tilespmem:s20+$0x1B0]  }
0x11e: {  	v2 =	vadd.f32 v9, v2;
	v9 =	vld [tilespmem:$0x1FEF0]  }
0x11f: {  	v0 =	vadd.f32 v46, v0;
	v57 =	vld [tilespmem:s20+$0x1C0];
	v1 =	vadd.f32 v6, v1  }
0x120: {  	v33 =	vld [tilespmem:s20+$0x1D0]  }
0x121: {  	v35 =	vld [tilespmem:s20+$0x100];
	v1 =	vadd.f32 v5, v1;
	v0 =	vadd.f32 v10, v0  }
0x122: {  	v47 =	vadd.f32 v40, v47;
	v38 =	vld [tilespmem:s20+$0x120]  }
0x123: {  	v40 =	vld [tilespmem:s20+$0x130];
	v1 =	vadd.f32 v7, v1;
	v0 =	vadd.f32 v9, v0;
	v9 =	vmul.f32 v11, v8  }
0x124: {  	v42 =	vld [tilespmem:s20+$0x150]  }
0x125: {  	v43 =	vld [tilespmem:s20+$0x80];
	v3 =	vadd.f32 v4, v3;
	v4 =	vmul.f32 v13, v8;
	v1 =	vadd.f32 v9, v1  }
0x126: {  	[tilespmem:$0x1FD40] =	vst v47;
	v45 =	vld [tilespmem:s20+$0x90];
	v2 =	vadd.f32 v41, v2  }
0x127: {  	v47 =	vld [tilespmem:s20+$0xA0];
	[tilespmem:$0x1FE00] =	vst v1;
	v1 =	vadd.f32 v4, v3  }
0x128: {  	[tilespmem:$0x1FEA0] =	vst v2;
	v2 =	vld [tilespmem:s20+$0x320]  }
0x129: {  	v8 =	vbroadcast v25, $0xF;
	[tilespmem:$0x1FE80] =	vst v1;
	v1 =	vld [tilespmem:s20+$0x310]  }
0x12a: {  	v48 =	vld [tilespmem:s20+$0xC0]  }
0x12b: {  	v18 =	vmul.f32 v18, v8;
	v3 =	vld [tilespmem:s20+$0x330]  }
0x12c: {  	v50 =	vld [tilespmem:s20+$0xD0];
	v9 =	vbroadcast v25, $0xE  }
0x12d: {  	v4 =	vld [tilespmem:s20+$0x340];
	[tilespmem:$0x1FEB0] =	vst v18;
	v18 =	vmul.f32 v19, v8  }
0x12e: {  	v37 =	vld [tilespmem:s20+$0xFFFFFF90];
	v19 =	vmul.f32 v1, v9;
	v1 =	vmul.f32 v2, v9  }
0x12f: {  	v44 =	vld [tilespmem:s20+$0xFFFFFF10]  }
0x130: {  	v6 =	vld [tilespmem:s20+$0x390];
	[tilespmem:$0x1FD90] =	vst v1;
	v1 =	vmul.f32 v3, v9  }
0x131: {  	v46 =	vld [tilespmem:s20+$0xFFFFFE80]  }
0x132: {  	v5 =	vld [tilespmem:s20+$0x3B0];
	[tilespmem:$0x1FDE0] =	vst v1;
	v1 =	vmul.f32 v4, v9  }
0x133: {  	v49 =	vld [tilespmem:s20+$0xFFFFFE90];
	v0 =	vadd.f32 v36, v0  }
0x134: {  	v56 =	vld [tilespmem:s20+$0x40];
	v10 =	vbroadcast v25, $0xD;
	[tilespmem:$0x1FEE0] =	vst v1;
	v1 =	vmul.f32 v26, v9  }
0x135: {  	v59 =	vbroadcast v25, $0xC;
	v41 =	vld [tilespmem:s20+$0x140];
	v6 =	vmul.f32 v6, v8;
	[tilespmem:$0x1FDA0] =	vst v0  }
0x136: {  	v7 =	vld [tilespmem:s20+$0x3D0];
	[tilespmem:$0x1FEF0] =	vst v1;
	v1 =	vmul.f32 v27, v10  }
0x137: {  	v58 =	vmul.f32 v51, v59;
	v51 =	vld [tilespmem:$0x1FD50];
	v5 =	vmul.f32 v5, v8;
	[tilespmem:$0x1FDC0] =	vst v6  }
0x138: {  	v13 =	vbroadcast v25, $0xA;
	v0 =	vld [tilespmem:s20+$0x300];
	[tilespmem:$0x1FD80] =	vst v1;
	v1 =	vmul.f32 v29, v10  }
0x139: {  	v14 =	vbroadcast v25, $0x9;
	v36 =	vld [tilespmem:s20+$0x110];
	[tilespmem:$0x1FED0] =	vst v5;
	v5 =	vmul.f32 v21, v8  }
0x13a: {  	v11 =	vmul.f32 v41, v13;
	v41 =	vld [tilespmem:s20+$0xFFFFFD30];
	[tilespmem:$0x1FDB0] =	vst v1;
	v1 =	vmul.f32 v32, v10  }
0x13b: {  	v6 =	vld [tilespmem:s20+$0xB0];
	[tilespmem:$0x1FDD0] =	vst v5;
	v5 =	vmul.f32 v7, v8  }
0x13c: {  	v21 =	vmul.f32 v43, v14;
	v43 =	vld [tilespmem:s20+$0xFFFFFD90];
	[tilespmem:$0x1FF00] =	vst v1;
	v1 =	vmul.f32 v34, v10  }
0x13d: {  	[tilespmem:$0x1FE50] =	vst v5;
	v0 =	vmul.f32 v0, v9;
	v2 =	vld [tilespmem:s20+$0x10]  }
0x13e: {  	v5 =	vmul.f32 v39, v59;
	v39 =	vld [tilespmem:s20+$0xFFFFFF00];
	[tilespmem:$0x1FF10] =	vst v1;
	v1 =	vmul.f32 v60, v59  }
0x13f: {  	v15 =	vbroadcast v25, $0x8;
	v12 =	vbroadcast v25, $0xB;
	[tilespmem:$0x1FD70] =	vst v0;
	v0 =	vld [tilespmem:s20+$0x0]  }
0x140: {  	v7 =	vmul.f32 v30, v10;
	v3 =	vld [tilespmem:s20+$0x20];
	[tilespmem:$0x1FF20] =	vst v1;
	v1 =	vmul.f32 v61, v59  }
0x141: {  	v4 =	vmul.f32 v31, v10;
	v31 =	vmul.f32 v47, v14;
	v47 =	vld [tilespmem:s20+$0xFFFFFC20]  }
0x142: {  	v30 =	vmul.f32 v2, v15;
	v2 =	vld [tilespmem:s20+$0xFFFFFC90];
	[tilespmem:$0x1FF30] =	vst v1;
	v1 =	vmul.f32 v52, v12  }
0x143: {  	v22 =	vbroadcast v25, $0x4;
	v26 =	vmul.f32 v6, v14;
	v6 =	vld [tilespmem:s20+$0xFFFFFD00]  }
0x144: {  	v28 =	vbroadcast v25, $0x0;
	v32 =	vld [tilespmem:s20+$0x50];
	[tilespmem:$0x1FE30] =	vst v1;
	v1 =	vmul.f32 v53, v12  }
0x145: {  	v20 =	vbroadcast v25, $0x5;
	v27 =	vmul.f32 v45, v14;
	v45 =	vld [tilespmem:s20+$0xFFFFFD10]  }
0x146: {  	v47 =	vmul.f32 v47, v28;
	v34 =	vld [tilespmem:s20+$0xFFFFFF80];
	[tilespmem:$0x1FE40] =	vst v1;
	v1 =	vmul.f32 v54, v12  }
0x147: {  	v17 =	vbroadcast v25, $0x7;
	[tilespmem:$0x1FEC0] =	vst v18;
	v18 =	vmul.f32 v62, v59;
	v29 =	vld [tilespmem:s20+$0x30]  }
0x148: {  	v47 =	vadd.f32 v47, v51;
	v51 =	vld [tilespmem:$0x1FD60];
	v60 =	vmul.f32 v63, v59;
	[tilespmem:$0x1FE70] =	vst v1;
	v1 =	vmul.f32 v55, v12  }
0x149: {  	v63 =	vmul.f32 v48, v14;
	v48 =	vld [tilespmem:s20+$0xFFFFFC30];
	v62 =	vmul.f32 v32, v15  }
0x14a: {  	v53 =	vmul.f32 v3, v15;
	v3 =	vld [tilespmem:s20+$0xFFFFFC00];
	[tilespmem:$0x1FE90] =	vst v1;
	v1 =	vmul.f32 v57, v12  }
0x14b: {  	v61 =	vmul.f32 v56, v15;
	v56 =	vld [tilespmem:s20+$0xFFFFFCB0];
	v32 =	vmul.f32 v34, v17  }
0x14c: {  	[tilespmem:$0x1FE60] =	vst v1;
	v1 =	vmul.f32 v33, v12;
	v33 =	vmul.f32 v49, v20;
	v49 =	vld [tilespmem:$0x1FD30]  }
0x14d: {  	v34 =	vmul.f32 v37, v17;
	v37 =	vld [tilespmem:s20+$0xFFFFFC10];
	v52 =	vmul.f32 v42, v13  }
0x14e: {  	v42 =	vld [tilespmem:s20+$0xFFFFFD80];
	v48 =	vmul.f32 v48, v28;
	[tilespmem:$0x1FE20] =	vst v1;
	v1 =	vmul.f32 v38, v13  }
0x14f: {  	v3 =	vmul.f32 v3, v28;
	v57 =	vmul.f32 v50, v14;
	v50 =	vld [tilespmem:s20+$0xFFFFFCA0]  }
0x150: {  	v24 =	vbroadcast v25, $0x3;
	v48 =	vadd.f32 v48, v51;
	v51 =	vld [tilespmem:s20+$0xFFFFFE20];
	[tilespmem:$0x1FDF0] =	vst v1;
	v1 =	vmul.f32 v40, v13  }
0x151: {  	v23 =	vbroadcast v25, $0x2;
	v16 =	vbroadcast v25, $0x6;
	v3 =	vadd.f32 v3, v49;
	v49 =	vld [tilespmem:$0x1FD40]  }
0x152: {  	v25 =	vbroadcast v25, $0x1;
	[tilespmem:$0x1FE10] =	vst v1;
	v1 =	vmul.f32 v0, v15;
	v0 =	vld [tilespmem:s20+$0xFFFFFC80]  }
0x153: {  	v54 =	vmul.f32 v35, v13;
	v35 =	vld [tilespmem:s20+$0xFFFFFE00];
	v37 =	vmul.f32 v37, v28  }
0x154: {  	v55 =	vmul.f32 v36, v13;
	v36 =	vld [tilespmem:s20+$0xFFFFFD20];
	v50 =	vmul.f32 v50, v25  }
0x155: {  	v46 =	vmul.f32 v46, v20;
	v41 =	vmul.f32 v41, v23;
	v38 =	vld [tilespmem:s20+$0xFFFFFDA0]  }
0x156: {  	v2 =	vmul.f32 v2, v25;
	v56 =	vmul.f32 v56, v25;
	v40 =	vld [tilespmem:s20+$0xFFFFFE10];
	v37 =	vadd.f32 v37, v49  }
0x157: {  	v43 =	vmul.f32 v43, v24;
	v47 =	vadd.f32 v50, v47;
	v49 =	vld [tilespmem:s20+$0xFFFFFDB0];
	v0 =	vmul.f32 v0, v25  }
0x158: {  	v45 =	vmul.f32 v45, v23;
	v50 =	vmovc v4;
	v4 =	vadd.f32 v56, v48;
	v48 =	vld [tilespmem:s20+$0xFFFFFEA0];
	v2 =	vadd.f32 v2, v37  }
0x159: {  	v6 =	vmul.f32 v6, v23;
	v0 =	vadd.f32 v0, v3;
	v3 =	vmul.f32 v36, v23;
	v36 =	vld [tilespmem:s20+$0xFFFFFE30]  }
0x15a: {  	v42 =	vmul.f32 v42, v24;
	v35 =	vmul.f32 v35, v22;
	v2 =	vadd.f32 v45, v2;
	v45 =	vld [tilespmem:s20+$0xFFFFFF20]  }
0x15b: {  	v37 =	vadd.f32 v41, v4;
	v0 =	vadd.f32 v6, v0;
	v6 =	vmul.f32 v38, v24;
	v38 =	vld [tilespmem:s20+$0xFFFFFEB0]  }
0x15c: {  	v3 =	vadd.f32 v3, v47;
	v41 =	vmul.f32 v49, v24;
	v49 =	vmovc v62;
	v62 =	vmov v5;
	v5 =	vld [tilespmem:$0x1FDF0]  }
0x15d: {  	v40 =	vmul.f32 v40, v22;
	v2 =	vadd.f32 v43, v2;
	v43 =	vld [tilespmem:s20+$0xFFFFFF30];
	v0 =	vadd.f32 v42, v0  }
0x15e: {  	v56 =	vmul.f32 v51, v22;
	v3 =	vadd.f32 v6, v3;
	v6 =	vadd.f32 v41, v37;
	v37 =	vld [tilespmem:s20+$0xFFFFFFA0]  }
0x15f: {  	v39 =	vmul.f32 v39, v16;
	v41 =	vld [tilespmem:s20+$0xFFFFFFD0];
	v36 =	vmul.f32 v36, v22;
	v2 =	vadd.f32 v40, v2  }
0x160: {  	v40 =	vld [tilespmem:s20+$0xFFFFFFB0];
	v0 =	vadd.f32 v35, v0;
	v35 =	vmul.f32 v48, v20;
	v3 =	vadd.f32 v56, v3  }
0x161: {  	v42 =	vld [tilespmem:s20+$0xFFFFFEC0];
	v6 =	vadd.f32 v36, v6;
	v36 =	vmul.f32 v38, v20;
	v2 =	vadd.f32 v33, v2  }
0x162: {  	v48 =	vld [tilespmem:$0x1FD70];
	v33 =	vmul.f32 v45, v16;
	v0 =	vadd.f32 v46, v0;
	v3 =	vadd.f32 v35, v3  }
0x163: {  	v56 =	vmov v60;
	v35 =	vmul.f32 v43, v16;
	v6 =	vadd.f32 v36, v6;
	v36 =	vld [tilespmem:s20+$0xFFFFFF40]  }
0x164: {  	v60 =	vmovc v18;
	v18 =	vld [tilespmem:s20+$0xFFFFFC40];
	v37 =	vmul.f32 v37, v17;
	v0 =	vadd.f32 v39, v0;
	v3 =	vadd.f32 v33, v3  }
0x165: {  	v33 =	vmul.f32 v40, v17;
	v6 =	vadd.f32 v35, v6;
	v35 =	vld [tilespmem:s20+$0xFFFFFED0]  }
0x166: {  	v38 =	vld [tilespmem:s20+$0xFFFFFFC0];
	v32 =	vadd.f32 v32, v0;
	v37 =	vadd.f32 v37, v3  }
0x167: {  	v44 =	vmul.f32 v44, v16;
	v6 =	vadd.f32 v33, v6;
	v33 =	vld [tilespmem:s20+$0xFFFFFE50]  }
0x168: {  	v45 =	vld [tilespmem:$0x1FD90];
	v3 =	vmul.f32 v36, v16;
	v32 =	vadd.f32 v1, v32;
	v36 =	vadd.f32 v53, v37  }
0x169: {  	v46 =	vmov v58;
	v58 =	vld [tilespmem:$0x1FD80]  }
0x16a: {  	v43 =	vld [tilespmem:$0x1FDA0];
	v32 =	vadd.f32 v21, v32;
	v4 =	vmul.f32 v35, v20;
	v35 =	vadd.f32 v31, v36  }
0x16b: {  	v29 =	vmul.f32 v29, v15;
	v2 =	vadd.f32 v44, v2;
	v44 =	vmovc v57;
	v57 =	vmov v11;
	v11 =	vld [tilespmem:$0x1FDB0]  }
0x16c: {  	v32 =	vadd.f32 v54, v32;
	v54 =	vmul.f32 v33, v22;
	v33 =	vadd.f32 v5, v35;
	v5 =	vld [tilespmem:$0x1FE10]  }
0x16d: {  	v39 =	vld [tilespmem:s20+$0xFFFFFF50];
	v6 =	vadd.f32 v29, v6  }
0x16e: {  	v40 =	vld [tilespmem:$0x1FDC0]  }
0x16f: {  	v34 =	vadd.f32 v34, v2;
	v2 =	vmul.f32 v38, v17;
	v38 =	vld [tilespmem:s20+$0xFFFFFE40];
	v6 =	vadd.f32 v26, v6  }
0x170: {  	v0 =	vmul.f32 v41, v17;
	v41 =	vld [tilespmem:$0x1FDD0]  }
0x171: {  	v6 =	vadd.f32 v5, v6;
	v5 =	vld [tilespmem:$0x1FE30]  }
0x172: {  	v30 =	vadd.f32 v30, v34;
	v34 =	vld [tilespmem:s20+$0xFFFFFDC0]  }
0x173: {  	v37 =	vld [tilespmem:s20+$0xFFFFFDD0]  }
0x174: {  	v53 =	vmul.f32 v42, v20;
	v42 =	vld [tilespmem:$0x1FDE0];
	v27 =	vadd.f32 v27, v30  }
0x175: {  	v29 =	vld [tilespmem:s20+$0xFFFFFD40]  }
0x176: {  	v36 =	vadd.f32 v55, v27;
	v55 =	vadd.f32 v5, v32;
	v5 =	vld [tilespmem:$0x1FE40]  }
0x177: {  	v30 =	vld [tilespmem:s20+$0xFFFFFCC0]  }
0x178: {  	v31 =	vld [tilespmem:$0x1FE90]  }
0x179: {  	v26 =	vld [tilespmem:s20+$0xFFFFFD50]  }
0x17a: {  	v27 =	vld [tilespmem:s20+$0xFFFFFCD0]  }
0x17b: {  	p1 =	sne.s32 s21, $0x200;
	v21 =	vmul.f32 v38, v22;
	v38 =	vmov v52;
	v52 =	vadd.f32 v5, v36;
	v5 =	vld [tilespmem:$0x1FE70]  }
.Ltmp1:
0x17c: {  	v35 =	vld [tilespmem:$0x1FE00];
	(pc) =	sbr.rel @p1 .LBB2_4-.Ltmp1, $4  }
0x17d: {  	v47 =	vmov v19;
	v19 =	vmul.f32 v34, v24;
	v34 =	vld [tilespmem:$0x1FE20]  }
0x17e: {  	v51 =	vmov v63;
	v63 =	vmov v7;
	v7 =	vmul.f32 v37, v24;
	v37 =	vld [tilespmem:$0x1FE60]  }
0x17f: {  	v36 =	vld [tilespmem:$0x1FE50]  }
0x180: {  	s21 =	sadd.s32 $0x40, s21;
	v1 =	vmul.f32 v39, v16;
	v6 =	vadd.f32 v31, v6;
	v5 =	vadd.f32 v5, v33;
	v33 =	vld [tilespmem:$0x1FE80]  }
0x181: {  	v31 =	vld [tilespmem:$0x1FF20];
	_ =	sdelay $0x4  }
0x182: {  	v31 =	vadd.f32 v31, v55  }
0x183: {  	v39 =	vld [tilespmem:$0x1FEB0]  }
0x184: {  	v31 =	vadd.f32 v58, v31  }
0x185: {  	v32 =	vld [tilespmem:$0xD900]  }
0x186: {  	v31 =	vadd.f32 v48, v31;
	_ =	sdelay $0x1  }
0x187: {  	v31 =	vadd.f32 v39, v31;
	_ =	sdelay $0x1  }
0x188: {  	v31 =	vadd.f32 v32, v31;
	_ =	sdelay $0x1  }
0x189: {  	v31 =	vsub.f32 $0.0e+00, v31;
	_ =	sdelay $0x1  }
0x18a: {  	v31 =	vmul.f32 $1.442695020e+00, v31  }
0x18b: {  	v39 =	vadd.f32 v62, v52  }
0x18c: {  	(erf) = vpow2.f32 v31  }
0x18d: {  	v48 =	vadd.f32 v11, v39  }
0x18e: {  	v52 =	vld [tilespmem:$0xD900]  }
0x18f: {  	v31 =	vadd.f32 v47, v48;
	_ =	sdelay $0x1  }
0x190: {  	v11 =	vld [tilespmem:$0x1FF30];
	v31 =	vadd.f32 v40, v31;
	_ =	sdelay $0x1  }
0x191: {  	v58 =	vld [tilespmem:$0x1FEA0];
	v31 =	vadd.f32 v52, v31;
	_ =	sdelay $0x1  }
0x192: {  	v31 =	vsub.f32 $0.0e+00, v31;
	v55 =	vpop (erf)  }
0x193: {  	v18 =	vmul.f32 v18, v28;
	v5 =	vadd.f32 v11, v5;
	v32 =	vadd.f32 $1.000000000e+00, v55  }
0x194: {  	v30 =	vmul.f32 v30, v25;
	v31 =	vmul.f32 $1.442695020e+00, v31  }
0x195: {  	v18 =	vadd.f32 v18, v58;
	v5 =	vadd.f32 v63, v5;
	v63 =	vld [tilespmem:$0x1FEC0];
	(erf) = vrcp.f32 v32  }
0x196: {  	(erf) = vpow2.f32 v31  }
0x197: {  	v29 =	vmul.f32 v29, v23;
	v18 =	vadd.f32 v30, v18  }
0x198: {  	v62 =	vld [tilespmem:$0xD900];
	v5 =	vadd.f32 v45, v5  }
0x199: {  	v18 =	vadd.f32 v29, v18  }
0x19a: {  	v5 =	vadd.f32 v63, v5  }
0x19b: {  	v18 =	vadd.f32 v19, v18;
	_ =	sdelay $0x1  }
0x19c: {  	v18 =	vadd.f32 v21, v18;
	v39 =	vadd.f32 v62, v5;
	v32 =	vld [tilespmem:s20+$0xFFFFFC50]  }
0x19d: {  	v5 =	vpop (erf)  }
0x19e: {  	v18 =	vadd.f32 v53, v18;
	v29 =	vsub.f32 $0.0e+00, v39;
	v40 =	vpop (erf)  }
0x19f: {  	v6 =	vadd.f32 v60, v6;
	v21 =	vadd.f32 $1.000000000e+00, v40  }
0x1a0: {  	v3 =	vadd.f32 v3, v18;
	v29 =	vmul.f32 $1.442695020e+00, v29  }
0x1a1: {  	v6 =	vadd.f32 v50, v6;
	v50 =	vld [tilespmem:$0x1FED0];
	v19 =	vmul.f32 v32, v28;
	(erf) = vrcp.f32 v21  }
0x1a2: {  	v2 =	vadd.f32 v2, v3;
	(erf) = vpow2.f32 v29  }
0x1a3: {  	v47 =	vmul.f32 v27, v25;
	v3 =	vld [tilespmem:$0xD900];
	v45 =	vadd.f32 v19, v43  }
0x1a4: {  	v6 =	vadd.f32 v42, v6;
	v2 =	vadd.f32 v61, v2  }
0x1a5: {  	v48 =	vmul.f32 v26, v23;
	v18 =	vadd.f32 v47, v45  }
0x1a6: {  	v6 =	vadd.f32 v50, v6;
	v2 =	vadd.f32 v51, v2  }
0x1a7: {  	v18 =	vadd.f32 v48, v18  }
0x1a8: {  	v3 =	vadd.f32 v3, v6  }
0x1a9: {  	v52 =	vld [tilespmem:s20+$0xFFFFFC60];
	v6 =	vadd.f32 v57, v2;
	v7 =	vadd.f32 v7, v18  }
0x1aa: {  	v57 =	vld [tilespmem:$0x1FF00];
	v3 =	vsub.f32 $0.0e+00, v3;
	v2 =	vpop (erf)  }
0x1ab: {  	v53 =	vld [tilespmem:s20+$0xFFFFFCE0];
	v6 =	vadd.f32 v37, v6;
	v7 =	vadd.f32 v54, v7;
	v55 =	vpop (erf)  }
0x1ac: {  	v60 =	vld [tilespmem:$0x1FEE0];
	v21 =	vadd.f32 $1.000000000e+00, v55  }
0x1ad: {  	v3 =	vmul.f32 $1.442695020e+00, v3;
	v6 =	vadd.f32 v56, v6;
	v4 =	vadd.f32 v4, v7;
	v7 =	vld [tilespmem:s20+$0xFFFFFD60]  }
0x1ae: {  	v42 =	vld [tilespmem:s20+$0x160];
	v18 =	vmul.f32 v52, v28;
	(erf) = vrcp.f32 v21  }
0x1af: {  	v6 =	vadd.f32 v57, v6;
	v1 =	vadd.f32 v1, v4;
	(erf) = vpow2.f32 v3;
	v3 =	vld [tilespmem:s20+$0xFFFFFDE0]  }
0x1b0: {  	v58 =	vld [tilespmem:s20+$0xFFFFFE60];
	v56 =	vmul.f32 v53, v25;
	v4 =	vadd.f32 v18, v35  }
0x1b1: {  	v6 =	vadd.f32 v60, v6;
	v0 =	vadd.f32 v0, v1;
	v1 =	vld [tilespmem:$0xD900]  }
0x1b2: {  	v11 =	vld [tilespmem:$0x1FEF0];
	v4 =	vadd.f32 v56, v4;
	v7 =	vmul.f32 v7, v23  }
0x1b3: {  	v61 =	vld [tilespmem:s20+$0xFFFFFEE0];
	v6 =	vadd.f32 v41, v6;
	v0 =	vadd.f32 v49, v0  }
0x1b4: {  	v63 =	vld [tilespmem:s20+$0xFFFFFCF0];
	v4 =	vadd.f32 v7, v4;
	v3 =	vmul.f32 v3, v24  }
0x1b5: {  	v62 =	vld [tilespmem:s20+$0xFFFFFF60];
	v0 =	vadd.f32 v44, v0  }
0x1b6: {  	v19 =	vmul.f32 v58, v22;
	v7 =	vld [tilespmem:s20+$0xFFFFFC70];
	v1 =	vadd.f32 v1, v6;
	v3 =	vadd.f32 v3, v4  }
0x1b7: {  	v0 =	vadd.f32 v38, v0;
	v4 =	vld [tilespmem:s20+$0xFFFFFFE0];
	v6 =	vpop (erf)  }
0x1b8: {  	v41 =	vld [tilespmem:$0x1FF10];
	v18 =	vmul.f32 v61, v20;
	v1 =	vsub.f32 $0.0e+00, v1;
	v3 =	vadd.f32 v19, v3;
	v35 =	vpop (erf)  }
0x1b9: {  	v37 =	vld [tilespmem:s20+$0x60];
	v0 =	vadd.f32 v34, v0;
	v19 =	vadd.f32 $1.000000000e+00, v35  }
0x1ba: {  	v32 =	vld [tilespmem:s20+$0xFFFFFD70];
	v21 =	vmul.f32 v62, v16;
	v1 =	vmul.f32 $1.442695020e+00, v1;
	v3 =	vadd.f32 v18, v3  }
0x1bb: {  	v39 =	vld [tilespmem:s20+$0xE0];
	v7 =	vmul.f32 v7, v28;
	v0 =	vadd.f32 v46, v0;
	(erf) = vrcp.f32 v19  }
0x1bc: {  	v38 =	vld [tilespmem:s20+$0xFFFFFDF0];
	v4 =	vmul.f32 v4, v17;
	v3 =	vadd.f32 v21, v3;
	(erf) = vpow2.f32 v1  }
0x1bd: {  	v40 =	vmul.f32 v63, v25;
	v7 =	vadd.f32 v7, v33;
	v0 =	vadd.f32 v41, v0;
	v1 =	vld [tilespmem:s20+$0xFFFFFE70]  }
0x1be: {  	v43 =	vmul.f32 v37, v15;
	v3 =	vadd.f32 v4, v3;
	v4 =	vld [tilespmem:$0xD900]  }
0x1bf: {  	v45 =	vld [tilespmem:s20+$0x1E0];
	v44 =	vmul.f32 v32, v23;
	v7 =	vadd.f32 v40, v7;
	v0 =	vadd.f32 v11, v0  }
0x1c0: {  	v46 =	vld [tilespmem:s20+$0xFFFFFEF0];
	v19 =	vmul.f32 v39, v14;
	v3 =	vadd.f32 v43, v3  }
0x1c1: {  	v47 =	vld [tilespmem:s20+$0x260];
	v7 =	vadd.f32 v44, v7;
	v0 =	vadd.f32 v36, v0;
	v18 =	vmul.f32 v38, v24  }
0x1c2: {  	v48 =	vld [tilespmem:s20+$0xFFFFFF70];
	v49 =	vmul.f32 v42, v13;
	v3 =	vadd.f32 v19, v3  }
0x1c3: {  	v50 =	vld [tilespmem:s20+$0x2E0];
	v7 =	vadd.f32 v18, v7;
	v1 =	vmul.f32 v1, v22;
	v0 =	vadd.f32 v4, v0  }
0x1c4: {  	v51 =	vmul.f32 v45, v12;
	v4 =	vld [tilespmem:s20+$0xFFFFFFF0];
	v3 =	vadd.f32 v49, v3;
	v52 =	vpop (erf)  }
0x1c5: {  	v53 =	vld [tilespmem:s20+$0x360];
	v1 =	vadd.f32 v1, v7;
	v7 =	vmul.f32 v46, v20;
	v54 =	vpop (erf);
	v0 =	vsub.f32 $0.0e+00, v0  }
0x1c6: {  	v55 =	vld [tilespmem:s20+$0x70];
	v21 =	vmul.f32 v47, v59;
	v3 =	vadd.f32 v51, v3;
	v24 =	vadd.f32 $1.000000000e+00, v54  }
0x1c7: {  	v56 =	vld [tilespmem:s20+$0x3E0];
	v1 =	vadd.f32 v7, v1;
	v7 =	vmul.f32 v48, v16;
	v0 =	vmul.f32 $1.442695020e+00, v0  }
0x1c8: {  	v57 =	vld [tilespmem:s20+$0xF0];
	v18 =	vmul.f32 v50, v10;
	v3 =	vadd.f32 v21, v3;
	(erf) = vrcp.f32 v24  }
0x1c9: {  	v1 =	vadd.f32 v7, v1;
	v4 =	vmul.f32 v4, v17;
	(erf) = vpow2.f32 v0  }
0x1ca: {  	v7 =	vmul.f32 v53, v9;
	v0 =	vadd.f32 v18, v3;
	v3 =	vld [tilespmem:s20+$0x170]  }
0x1cb: {  	v58 =	vld [tilespmem:$0xD900];
	v1 =	vadd.f32 v4, v1;
	v4 =	vmul.f32 v55, v15  }
0x1cc: {  	v16 =	vmul.f32 v56, v8;
	v0 =	vadd.f32 v7, v0;
	v7 =	vld [tilespmem:s20+$0x1F0]  }
0x1cd: {  	v1 =	vadd.f32 v4, v1;
	v4 =	vmul.f32 v57, v14  }
0x1ce: {  	v60 =	vld [tilespmem:s20+$0x270];
	v0 =	vadd.f32 v16, v0  }
0x1cf: {  	v1 =	vadd.f32 v4, v1;
	v3 =	vmul.f32 v3, v13  }
0x1d0: {  	v4 =	vld [tilespmem:s20+$0x2F0];
	v0 =	vadd.f32 v58, v0  }
0x1d1: {  	v1 =	vadd.f32 v3, v1;
	v3 =	vmul.f32 v7, v12;
	v7 =	vpop (erf)  }
0x1d2: {  	v61 =	vld [tilespmem:s20+$0x370];
	v62 =	vpop (erf);
	v0 =	vsub.f32 $0.0e+00, v0  }
0x1d3: {  	v1 =	vadd.f32 v3, v1;
	v3 =	vmul.f32 v60, v59;
	v11 =	vadd.f32 $1.000000000e+00, v62  }
0x1d4: {  	v63 =	vld [tilespmem:s20+$0x3F0];
	v0 =	vmul.f32 $1.442695020e+00, v0  }
0x1d5: {  	v1 =	vadd.f32 v3, v1;
	v3 =	vmul.f32 v4, v10;
	(erf) = vrcp.f32 v11  }
0x1d6: {  	(erf) = vpow2.f32 v0  }
0x1d7: {  	v0 =	vadd.f32 v3, v1;
	v1 =	vmul.f32 v61, v9  }
0x1d8: {  	v3 =	vld [tilespmem:$0xD900]  }
0x1d9: {  	v0 =	vadd.f32 v1, v0;
	v1 =	vmul.f32 v63, v8;
	_ =	sdelay $0x1  }
0x1da: {  	v0 =	vadd.f32 v1, v0;
	_ =	sdelay $0x1  }
0x1db: {  	v0 =	vadd.f32 v3, v0  }
0x1dc: {  	v1 =	vpop (erf)  }
0x1dd: {  	v3 =	vpop (erf);
	v0 =	vsub.f32 $0.0e+00, v0  }
0x1de: {  	v3 =	vadd.f32 $1.000000000e+00, v3  }
0x1df: {  	v0 =	vmul.f32 $1.442695020e+00, v0  }
0x1e0: {  	(erf) = vrcp.f32 v3  }
0x1e1: {  	(erf) = vpow2.f32 v0;
	_ =	sdelay $0x7  }
0x1e2: {  	v0 =	vpop (erf)  }
0x1e3: {  	v3 =	vpop (erf)  }
0x1e4: {  	v3 =	vadd.f32 $1.000000000e+00, v3;
	_ =	sdelay $0x1  }
0x1e5: {  	(erf) = vrcp.f32 v3;
	_ =	sdelay $0x2  }
0x1e6: {  	[tilespmem:$0xD980] =	vst v5  }
0x1e7: {  	[tilespmem:$0xD990] =	vst v2  }
0x1e8: {  	[tilespmem:$0xD9A0] =	vst v6  }
0x1e9: {  	[tilespmem:$0xD9B0] =	vst v52  }
0x1ea: {  	[tilespmem:$0xD9C0] =	vst v7  }
0x1eb: {  	[tilespmem:$0xD9D0] =	vst v1  }
0x1ec: {  	[tilespmem:$0xD9E0] =	vst v0;
	v0 =	vpop (erf)  }
0x1ed: {  	[tilespmem:$0xD9F0] =	vst v0  }
0x1ee: {  	[hbm4b:s7+s2] =	stream.linear.scatter [tilespmem:s18], [sflag:$0x2], $0x80, $0x38;
	[tilespmem:$0x1D200] =	vst v63  }
0x1ef: {  	_ =	swait.ge [sflag:s12], $0x80  }
0x1f0: {  	v2 =	vld [tilespmem:$0x1FF80]  }
0x1f1: {  	s19 =	sadd.s32 $0x1, s19;
	v3 =	vld [tilespmem:$0x1FF90]  }
0x1f2: {  	p1 =	sne.s32 s19, s8;
	v4 =	vld [tilespmem:$0x1FFA0]  }
.Ltmp2:
0x1f3: {  	v5 =	vld [tilespmem:$0x1FFB0];
	(pc) =	sbr.rel @p1 .LBB2_1-.Ltmp2, $4  }
0x1f4: {  	v6 =	vld [tilespmem:$0x1FFC0]  }
0x1f5: {  	v7 =	vld [tilespmem:$0x1FFD0]  }
0x1f6: {  	[sflag:s12] =	ssyncset.done $0x0;
	v8 =	vld [tilespmem:$0x1FFE0]  }
0x1f7: {  	v9 =	vld [tilespmem:$0x1FFF0];
	[sflag:s12] =	ssyncadd.s32 $0xFFFFFF80  }
0x1f8: {  	_ =	sfence.sel $0x180000  }
0x1f9: {  	[bflag:$0x0] =	sbarrier.arrive $0xFFFF  }
0x1fa: {  	_ =	strace $0x90000047  }
0x1fb: {  	s0 =	sadd.s32 @!p0 $0x100000, s0;
	[bflag:$0x2] =	sbarrier.arrive $0xFFFF  }
0x1fc: {  	[sflag:s0] =	ssyncadd.tile.s32 @!p0 $0x1;
	_ =	shalt  }
.Lfunc_end2:
_tile_overlayer_lowered:
.L_overlay_start_2:
0x1fd: {  	(tag) =	ssettag $0x2  }
0x1fe: {  	s0 =	rddreg [dreg:$0x0];
	s2 =	stileid.u32  }
0x1ff: {  	s1 =	rddreg [dreg:$0x1];
	p0 =	sne.s32 s2, $0x0  }
0x200: {  	s3 =	rddreg [dreg:$0x2];
	[bflag:$0x3] =	sbarrier.arrive $0xFFFF;
	s2 =	simm.s32 @!p0 $0x1C02  }
0x201: {  	[timem:s3], [sflag:s2] =	dma.local @!p0 [hbm:s0], s1  }
0x202: {  	s0 =	simm.s32 @!p0 $0x2  }
0x203: {  	_ =	swait.ge @!p0 [sflag:s0], s1  }
0x204: {  	s1 =	ssub.s32 @!p0 $0x0, s1;
	[sflag:s0] =	ssyncset.done @!p0 $0x0  }
0x205: {  	[sflag:s0] =	ssyncadd.s32 @!p0 s1  }
0x206: {  	[bflag:$0x3] =	sbarrier.arrive $0xFFFF  }
0x207: {  	_ =	shalt  }

</sc_bundles>
